<compile_context>
chip_gen: v7x
topology: tpu7x:2x2x1
jax: 0.10.2.dev20260603
libtpu: 0.0.44.dev20260713+nightly
codegen_flags: <defaults>
</compile_context>

<pallas_src>
import jax
import jax.numpy as jnp
from jax import lax
from jax.experimental import pallas as pl
from jax.experimental.pallas import tpu as pltpu
from jax.experimental.pallas import tpu_sc as plsc

D = 128
TWO_D = 256
L = 16
NC = 2
NS = 16
N_WORKERS = D // L
N_CHUNKS = TWO_D // L


def _sc_body(inp_hbm, we_hbm, pe_hbm, w_hbm, b_hbm, out_hbm,
             ij_v, wrows_v, prows_v, w_v, b_v, acc_v, sem_w, sem_p):
    c = lax.axis_index("c")
    s = lax.axis_index("s")
    wid = s * NC + c

    @pl.when(wid < N_WORKERS)
    def _():
        base = pl.multiple_of(wid * L, L)
        pltpu.sync_copy(inp_hbm, ij_v)
        cp_w = pltpu.async_copy(we_hbm.at[ij_v], wrows_v, sem_w)
        cp_p = pltpu.async_copy(pe_hbm.at[ij_v], prows_v, sem_p)
        pltpu.sync_copy(w_hbm.at[pl.ds(base, L)], w_v)
        pltpu.sync_copy(b_hbm.at[pl.ds(base, L)], b_v)
        cp_w.wait()
        cp_p.wait()

        xs = [wrows_v[1, pl.ds(ch * L, L)] for ch in range(D // L)]
        xs += [prows_v[0, pl.ds(ch * L, L)] for ch in range(D // L)]

        lane = lax.broadcasted_iota(jnp.int32, (L,), 0)
        acc = b_v[...]
        for l in range(L):
            p = xs[0] * w_v[l, pl.ds(0, L)]
            for ch in range(1, N_CHUNKS):
                p = p + xs[ch] * w_v[l, pl.ds(ch * L, L)]
            tot = jnp.sum(p)
            acc = acc + jnp.where(lane == l, tot, 0.0)
        acc_v[...] = acc
        pltpu.sync_copy(acc_v, out_hbm.at[pl.ds(base, L)])


@jax.jit
def _sc_encode(inp, we, pe, w, b):
    mesh = plsc.VectorSubcoreMesh(core_axis_name="c", subcore_axis_name="s")
    return pl.kernel(
        _sc_body,
        out_type=jax.ShapeDtypeStruct((D,), jnp.float32),
        mesh=mesh,
        compiler_params=pltpu.CompilerParams(needs_layout_passes=False),
        scratch_types=[
            pltpu.VMEM((2,), jnp.int32),
            pltpu.VMEM((2, D), jnp.float32),
            pltpu.VMEM((2, D), jnp.float32),
            pltpu.VMEM((L, TWO_D), jnp.float32),
            pltpu.VMEM((L,), jnp.float32),
            pltpu.VMEM((L,), jnp.float32),
            pltpu.SemaphoreType.DMA,
            pltpu.SemaphoreType.DMA,
        ],
    )(inp, we, pe, w, b)


def kernel(input, hidden, word_embedding, pos_embedding, W, b):
    out = _sc_encode(input, word_embedding, pos_embedding, W, b)
    return (out.reshape(1, D), hidden)

# --- scband reference (transcript-rebuilt; emitter-appended) ---
"""Pipeline reference for scband-positional-encoder-23536420782453 (READ-ONLY COPY).

The authoritative reference and input builder live on the scoring server;
editing this copy changes nothing except your own understanding.
"""

import jax, jax.numpy as jnp
import numpy as np

VOCAB = 100000
MAX_LEN = 200
D = 128


def setup_inputs(seed: int = 0) -> dict:
    key = jax.random.key(seed)
    k1, k2, k3, k4, k5 = jax.random.split(key, 5)
    # input[0] = position index i (< MAX_LEN), input[1] = word index (< VOCAB; sampled < MAX_LEN to satisfy both)
    inp = jax.random.randint(k1, (2,), 0, MAX_LEN)
    hidden = jax.random.normal(k2, (1, 1, D), dtype=jnp.float32)
    word_embedding = jax.random.normal(k3, (VOCAB, D), dtype=jnp.float32)
    pos_embedding = jax.random.normal(k4, (MAX_LEN, D), dtype=jnp.float32)
    # nn.Linear(2*D, D): weight [D, 2*D], bias [D]
    W = jax.random.normal(k5, (D, 2 * D), dtype=jnp.float32) * 0.02
    b = jnp.zeros((D,), dtype=jnp.float32)
    return {"input": inp, "hidden": hidden, "word_embedding": word_embedding, "pos_embedding": pos_embedding, "W": W, "b": b}


def reference(input, hidden, word_embedding, pos_embedding, W, b):
    i = input[0]
    word = input[1]
    # word_embedding(word).view(1, 1, -1)
    word_embedded = jnp.take(word_embedding, word, axis=0).reshape(1, 1, -1)
    # pos_embedding(torch.tensor([i])).view(1, 1, -1)
    pos_embedded = jnp.take(pos_embedding, jnp.asarray([i]), axis=0).reshape(1, 1, -1)
    # cat((word.squeeze(0), pos.squeeze(0)), dim=1) -> [1, 2*D]
    output = jnp.concatenate([word_embedded[0], pos_embedded[0]], axis=1)
    # dropout is identity in eval mode; linear
    output = output @ W.T + b
    return (output, hidden)

if __name__ == "__main__":
    import jax
    _d = setup_inputs()
    print(jax.jit(kernel)(*tuple(_d.values())))

</pallas_src>

<mosaic_0001>
#map = affine_map<(d0, d1) -> (0)>
#map1 = affine_map<(d0, d1) -> (0, 0)>
module attributes {stable_mosaic.version = 14 : i64} {
  func.func @_sc_body(%arg0: i32, %arg1: i32, %arg2: memref<2xi32, #tpu.memory_space<hbm>>, %arg3: memref<100000x128xf32, #tpu.memory_space<hbm>>, %arg4: memref<200x128xf32, #tpu.memory_space<hbm>>, %arg5: memref<128x256xf32, #tpu.memory_space<hbm>>, %arg6: memref<128xf32, #tpu.memory_space<hbm>>, %arg7: memref<128xf32, #tpu.memory_space<hbm>>, %arg8: memref<2xi32, #tpu.memory_space<vmem>>, %arg9: memref<2x128xf32, #tpu.memory_space<vmem>>, %arg10: memref<2x128xf32, #tpu.memory_space<vmem>>, %arg11: memref<16x256xf32, #tpu.memory_space<vmem>>, %arg12: memref<16xf32, #tpu.memory_space<vmem>>, %arg13: memref<16xf32, #tpu.memory_space<vmem>>, %arg14: memref<!tpu.dma_semaphore, #tpu.memory_space<semaphore_mem>>, %arg15: memref<!tpu.dma_semaphore, #tpu.memory_space<semaphore_mem>>) attributes {dimension_semantics = [#tpu.dimension_semantics<core_parallel>, #tpu.dimension_semantics<subcore_parallel>], iteration_bounds = array<i64: 2, 16>, scalar_prefetch = 0 : i64, scratch_operands = 8 : i64, tpu.core_type = #tpu.core_type<sc_vector_subcore>, window_params = [{transform_indices = #map}, {transform_indices = #map1}, {transform_indices = #map1}, {transform_indices = #map1}, {transform_indices = #map}, {transform_indices = #map}]} {
    %mul3A = arith.constant 2 : i32
    %mul3A_0 = arith.muli %arg1, %mul3A : i32
    %add3A = arith.addi %mul3A_0, %arg0 : i32
    %lt3A = arith.constant 8 : i32
    %lt3A_1 = arith.cmpi slt, %add3A, %lt3A : i32
    %convert_element_type3A = arith.extui %lt3A_1 : i1 to i32
    %cond3A = arith.constant 0 : i32
    %cond3A_2 = arith.cmpi ne, %convert_element_type3A, %cond3A : i32
    scf.if %cond3A_2 {
      %mul3A_3 = arith.constant 16 : i32
      %mul3A_4 = arith.muli %add3A, %mul3A_3 : i32
      %multiple_of3A = tpu.assume_multiple %mul3A_4, 16 : i32
      "tpu.region"() ({
        %run_scoped3A = tpu.sem_alloc : memref<!tpu.dma_semaphore, #tpu.memory_space<semaphore_mem>>
        tpu.enqueue_dma source(%arg2 : memref<2xi32, #tpu.memory_space<hbm>>) target(%arg8 : memref<2xi32, #tpu.memory_space<vmem>>) target_semaphore(%run_scoped3A : memref<!tpu.dma_semaphore, #tpu.memory_space<semaphore_mem>>)
        tpu.wait_dma2 semaphore(%run_scoped3A : memref<!tpu.dma_semaphore, #tpu.memory_space<semaphore_mem>>) src(%arg2 : memref<2xi32, #tpu.memory_space<hbm>>) dst(%arg8 : memref<2xi32, #tpu.memory_space<vmem>>)
        tpu.yield
      }) : () -> ()
      %dma_start3A = arith.constant 0 : i32
      %dma_start3A_5 = arith.constant 0 : i32
      %dma_start3A_6 = tpu.memref_slice %arg3[%dma_start3A, %dma_start3A_5] : memref<100000x128xf32, #tpu.memory_space<hbm>> -> memref<100000x128xf32, #tpu.memory_space<hbm>>
      tpu.enqueue_indirect_dma source(%dma_start3A_6 : memref<100000x128xf32, #tpu.memory_space<hbm>>) target(%arg9 : memref<2x128xf32, #tpu.memory_space<vmem>>) offsets(%arg8 : memref<2xi32, #tpu.memory_space<vmem>>) semaphore(%arg14 : memref<!tpu.dma_semaphore, #tpu.memory_space<semaphore_mem>>)
      %dma_start3A_7 = arith.constant 0 : i32
      %dma_start3A_8 = arith.constant 0 : i32
      %dma_start3A_9 = tpu.memref_slice %arg4[%dma_start3A_7, %dma_start3A_8] : memref<200x128xf32, #tpu.memory_space<hbm>> -> memref<200x128xf32, #tpu.memory_space<hbm>>
      tpu.enqueue_indirect_dma source(%dma_start3A_9 : memref<200x128xf32, #tpu.memory_space<hbm>>) target(%arg10 : memref<2x128xf32, #tpu.memory_space<vmem>>) offsets(%arg8 : memref<2xi32, #tpu.memory_space<vmem>>) semaphore(%arg15 : memref<!tpu.dma_semaphore, #tpu.memory_space<semaphore_mem>>)
      "tpu.region"() ({
        %run_scoped3A = tpu.sem_alloc : memref<!tpu.dma_semaphore, #tpu.memory_space<semaphore_mem>>
        %dma_start3A_1788 = arith.constant 0 : i32
        %dma_start3A_1789 = tpu.memref_slice %arg5[%multiple_of3A, %dma_start3A_1788] : memref<128x256xf32, #tpu.memory_space<hbm>> -> memref<16x256xf32, #tpu.memory_space<hbm>>
        %dma_start3A_1790 = arith.constant 0 : i32
        %dma_start3A_1791 = tpu.memref_slice %arg5[%multiple_of3A, %dma_start3A_1790] : memref<128x256xf32, #tpu.memory_space<hbm>> -> memref<16x256xf32, #tpu.memory_space<hbm>>
        tpu.enqueue_dma source(%dma_start3A_1791 : memref<16x256xf32, #tpu.memory_space<hbm>>) target(%arg11 : memref<16x256xf32, #tpu.memory_space<vmem>>) target_semaphore(%run_scoped3A : memref<!tpu.dma_semaphore, #tpu.memory_space<semaphore_mem>>)
        %dma_wait3A_1792 = arith.constant 0 : i32
        %dma_wait3A_1793 = tpu.memref_slice %arg5[%multiple_of3A, %dma_wait3A_1792] : memref<128x256xf32, #tpu.memory_space<hbm>> -> memref<16x256xf32, #tpu.memory_space<hbm>>
        %dma_wait3A_1794 = arith.constant 0 : i32
        %dma_wait3A_1795 = tpu.memref_slice %arg5[%multiple_of3A, %dma_wait3A_1794] : memref<128x256xf32, #tpu.memory_space<hbm>> -> memref<16x256xf32, #tpu.memory_space<hbm>>
        tpu.wait_dma2 semaphore(%run_scoped3A : memref<!tpu.dma_semaphore, #tpu.memory_space<semaphore_mem>>) src(%dma_wait3A_1795 : memref<16x256xf32, #tpu.memory_space<hbm>>) dst(%arg11 : memref<16x256xf32, #tpu.memory_space<vmem>>)
        tpu.yield
      }) : () -> ()
      "tpu.region"() ({
        %run_scoped3A = tpu.sem_alloc : memref<!tpu.dma_semaphore, #tpu.memory_space<semaphore_mem>>
        %dma_start3A_1788 = tpu.memref_slice %arg6[%multiple_of3A] : memref<128xf32, #tpu.memory_space<hbm>> -> memref<16xf32, #tpu.memory_space<hbm>>
        %dma_start3A_1789 = tpu.memref_slice %arg6[%multiple_of3A] : memref<128xf32, #tpu.memory_space<hbm>> -> memref<16xf32, #tpu.memory_space<hbm>>
        tpu.enqueue_dma source(%dma_start3A_1789 : memref<16xf32, #tpu.memory_space<hbm>>) target(%arg12 : memref<16xf32, #tpu.memory_space<vmem>>) target_semaphore(%run_scoped3A : memref<!tpu.dma_semaphore, #tpu.memory_space<semaphore_mem>>)
        %dma_wait3A_1790 = tpu.memref_slice %arg6[%multiple_of3A] : memref<128xf32, #tpu.memory_space<hbm>> -> memref<16xf32, #tpu.memory_space<hbm>>
        %dma_wait3A_1791 = tpu.memref_slice %arg6[%multiple_of3A] : memref<128xf32, #tpu.memory_space<hbm>> -> memref<16xf32, #tpu.memory_space<hbm>>
        tpu.wait_dma2 semaphore(%run_scoped3A : memref<!tpu.dma_semaphore, #tpu.memory_space<semaphore_mem>>) src(%dma_wait3A_1791 : memref<16xf32, #tpu.memory_space<hbm>>) dst(%arg12 : memref<16xf32, #tpu.memory_space<vmem>>)
        tpu.yield
      }) : () -> ()
      %dma_wait3A = arith.constant 0 : i32
      %dma_wait3A_10 = arith.constant 0 : i32
      %dma_wait3A_11 = tpu.memref_slice %arg3[%dma_wait3A, %dma_wait3A_10] : memref<100000x128xf32, #tpu.memory_space<hbm>> -> memref<100000x128xf32, #tpu.memory_space<hbm>>
      tpu.wait_indirect_dma semaphore(%arg14 : memref<!tpu.dma_semaphore, #tpu.memory_space<semaphore_mem>>) src(%dma_wait3A_11 : memref<100000x128xf32, #tpu.memory_space<hbm>>) dst(%arg9 : memref<2x128xf32, #tpu.memory_space<vmem>>)
      %dma_wait3A_12 = arith.constant 0 : i32
      %dma_wait3A_13 = arith.constant 0 : i32
      %dma_wait3A_14 = tpu.memref_slice %arg4[%dma_wait3A_12, %dma_wait3A_13] : memref<200x128xf32, #tpu.memory_space<hbm>> -> memref<200x128xf32, #tpu.memory_space<hbm>>
      tpu.wait_indirect_dma semaphore(%arg15 : memref<!tpu.dma_semaphore, #tpu.memory_space<semaphore_mem>>) src(%dma_wait3A_14 : memref<200x128xf32, #tpu.memory_space<hbm>>) dst(%arg10 : memref<2x128xf32, #tpu.memory_space<vmem>>)
      %get3A = arith.constant 1 : i32
      %get3A_15 = arith.index_cast %get3A : i32 to index
      %get3A_16 = arith.constant 0 : index
      %get3A_17 = tpu.vector_load %arg9[%get3A_15, %get3A_16] {strides = array<i32>} : memref<2x128xf32, #tpu.memory_space<vmem>>, vector<16xf32>,
      %get3A_18 = arith.constant 1 : i32
      %get3A_19 = arith.index_cast %get3A_18 : i32 to index
      %get3A_20 = arith.constant 16 : index
      %get3A_21 = tpu.vector_load %arg9[%get3A_19, %get3A_20] {strides = array<i32>} : memref<2x128xf32, #tpu.memory_space<vmem>>, vector<16xf32>,
      %get3A_22 = arith.constant 1 : i32
      %get3A_23 = arith.index_cast %get3A_22 : i32 to index
      %get3A_24 = arith.constant 32 : index
      %get3A_25 = tpu.vector_load %arg9[%get3A_23, %get3A_24] {strides = array<i32>} : memref<2x128xf32, #tpu.memory_space<vmem>>, vector<16xf32>,
      %get3A_26 = arith.constant 1 : i32
      %get3A_27 = arith.index_cast %get3A_26 : i32 to index
      %get3A_28 = arith.constant 48 : index
      %get3A_29 = tpu.vector_load %arg9[%get3A_27, %get3A_28] {strides = array<i32>} : memref<2x128xf32, #tpu.memory_space<vmem>>, vector<16xf32>,
      %get3A_30 = arith.constant 1 : i32
      %get3A_31 = arith.index_cast %get3A_30 : i32 to index
      %get3A_32 = arith.constant 64 : index
      %get3A_33 = tpu.vector_load %arg9[%get3A_31, %get3A_32] {strides = array<i32>} : memref<2x128xf32, #tpu.memory_space<vmem>>, vector<16xf32>,
      %get3A_34 = arith.constant 1 : i32
      %get3A_35 = arith.index_cast %get3A_34 : i32 to index
      %get3A_36 = arith.constant 80 : index
      %get3A_37 = tpu.vector_load %arg9[%get3A_35, %get3A_36] {strides = array<i32>} : memref<2x128xf32, #tpu.memory_space<vmem>>, vector<16xf32>,
      %get3A_38 = arith.constant 1 : i32
      %get3A_39 = arith.index_cast %get3A_38 : i32 to index
      %get3A_40 = arith.constant 96 : index
      %get3A_41 = tpu.vector_load %arg9[%get3A_39, %get3A_40] {strides = array<i32>} : memref<2x128xf32, #tpu.memory_space<vmem>>, vector<16xf32>,
      %get3A_42 = arith.constant 1 : i32
      %get3A_43 = arith.index_cast %get3A_42 : i32 to index
      %get3A_44 = arith.constant 112 : index
      %get3A_45 = tpu.vector_load %arg9[%get3A_43, %get3A_44] {strides = array<i32>} : memref<2x128xf32, #tpu.memory_space<vmem>>, vector<16xf32>,
      %get3A_46 = arith.constant 0 : i32
      %get3A_47 = arith.index_cast %get3A_46 : i32 to index
      %get3A_48 = arith.constant 0 : index
      %get3A_49 = tpu.vector_load %arg10[%get3A_47, %get3A_48] {strides = array<i32>} : memref<2x128xf32, #tpu.memory_space<vmem>>, vector<16xf32>,
      %get3A_50 = arith.constant 0 : i32
      %get3A_51 = arith.index_cast %get3A_50 : i32 to index
      %get3A_52 = arith.constant 16 : index
      %get3A_53 = tpu.vector_load %arg10[%get3A_51, %get3A_52] {strides = array<i32>} : memref<2x128xf32, #tpu.memory_space<vmem>>, vector<16xf32>,
      %get3A_54 = arith.constant 0 : i32
      %get3A_55 = arith.index_cast %get3A_54 : i32 to index
      %get3A_56 = arith.constant 32 : index
      %get3A_57 = tpu.vector_load %arg10[%get3A_55, %get3A_56] {strides = array<i32>} : memref<2x128xf32, #tpu.memory_space<vmem>>, vector<16xf32>,
      %get3A_58 = arith.constant 0 : i32
      %get3A_59 = arith.index_cast %get3A_58 : i32 to index
      %get3A_60 = arith.constant 48 : index
      %get3A_61 = tpu.vector_load %arg10[%get3A_59, %get3A_60] {strides = array<i32>} : memref<2x128xf32, #tpu.memory_space<vmem>>, vector<16xf32>,
      %get3A_62 = arith.constant 0 : i32
      %get3A_63 = arith.index_cast %get3A_62 : i32 to index
      %get3A_64 = arith.constant 64 : index
      %get3A_65 = tpu.vector_load %arg10[%get3A_63, %get3A_64] {strides = array<i32>} : memref<2x128xf32, #tpu.memory_space<vmem>>, vector<16xf32>,
      %get3A_66 = arith.constant 0 : i32
      %get3A_67 = arith.index_cast %get3A_66 : i32 to index
      %get3A_68 = arith.constant 80 : index
      %get3A_69 = tpu.vector_load %arg10[%get3A_67, %get3A_68] {strides = array<i32>} : memref<2x128xf32, #tpu.memory_space<vmem>>, vector<16xf32>,
      %get3A_70 = arith.constant 0 : i32
      %get3A_71 = arith.index_cast %get3A_70 : i32 to index
      %get3A_72 = arith.constant 96 : index
      %get3A_73 = tpu.vector_load %arg10[%get3A_71, %get3A_72] {strides = array<i32>} : memref<2x128xf32, #tpu.memory_space<vmem>>, vector<16xf32>,
      %get3A_74 = arith.constant 0 : i32
      %get3A_75 = arith.index_cast %get3A_74 : i32 to index
      %get3A_76 = arith.constant 112 : index
      %get3A_77 = tpu.vector_load %arg10[%get3A_75, %get3A_76] {strides = array<i32>} : memref<2x128xf32, #tpu.memory_space<vmem>>, vector<16xf32>,
      %iota3A = tpu.iota {dimensions = array<i32: 0>} : vector<16xi32>
      %get3A_78 = arith.constant 0 : index
      %get3A_79 = tpu.vector_load %arg12[%get3A_78] {strides = array<i32>} : memref<16xf32, #tpu.memory_space<vmem>>, vector<16xf32>,
      %get3A_80 = arith.constant 0 : i32
      %get3A_81 = arith.index_cast %get3A_80 : i32 to index
      %get3A_82 = arith.constant 0 : index
      %get3A_83 = tpu.vector_load %arg11[%get3A_81, %get3A_82] {strides = array<i32>} : memref<16x256xf32, #tpu.memory_space<vmem>>, vector<16xf32>,
      %mul3A_84 = arith.mulf %get3A_17, %get3A_83 : vector<16xf32>
      %get3A_85 = arith.constant 0 : i32
      %get3A_86 = arith.index_cast %get3A_85 : i32 to index
      %get3A_87 = arith.constant 16 : index
      %get3A_88 = tpu.vector_load %arg11[%get3A_86, %get3A_87] {strides = array<i32>} : memref<16x256xf32, #tpu.memory_space<vmem>>, vector<16xf32>,
      %mul3A_89 = arith.mulf %get3A_21, %get3A_88 : vector<16xf32>
      %add3A_90 = arith.addf %mul3A_84, %mul3A_89 : vector<16xf32>
      %get3A_91 = arith.constant 0 : i32
      %get3A_92 = arith.index_cast %get3A_91 : i32 to index
      %get3A_93 = arith.constant 32 : index
      %get3A_94 = tpu.vector_load %arg11[%get3A_92, %get3A_93] {strides = array<i32>} : memref<16x256xf32, #tpu.memory_space<vmem>>, vector<16xf32>,
      %mul3A_95 = arith.mulf %get3A_25, %get3A_94 : vector<16xf32>
      %add3A_96 = arith.addf %add3A_90, %mul3A_95 : vector<16xf32>
      %get3A_97 = arith.constant 0 : i32
      %get3A_98 = arith.index_cast %get3A_97 : i32 to index
      %get3A_99 = arith.constant 48 : index
      %get3A_100 = tpu.vector_load %arg11[%get3A_98, %get3A_99] {strides = array<i32>} : memref<16x256xf32, #tpu.memory_space<vmem>>, vector<16xf32>,
      %mul3A_101 = arith.mulf %get3A_29, %get3A_100 : vector<16xf32>
      %add3A_102 = arith.addf %add3A_96, %mul3A_101 : vector<16xf32>
      %get3A_103 = arith.constant 0 : i32
      %get3A_104 = arith.index_cast %get3A_103 : i32 to index
      %get3A_105 = arith.constant 64 : index
      %get3A_106 = tpu.vector_load %arg11[%get3A_104, %get3A_105] {strides = array<i32>} : memref<16x256xf32, #tpu.memory_space<vmem>>, vector<16xf32>,
      %mul3A_107 = arith.mulf %get3A_33, %get3A_106 : vector<16xf32>
      %add3A_108 = arith.addf %add3A_102, %mul3A_107 : vector<16xf32>
      %get3A_109 = arith.constant 0 : i32
      %get3A_110 = arith.index_cast %get3A_109 : i32 to index
      %get3A_111 = arith.constant 80 : index
      %get3A_112 = tpu.vector_load %arg11[%get3A_110, %get3A_111] {strides = array<i32>} : memref<16x256xf32, #tpu.memory_space<vmem>>, vector<16xf32>,
      %mul3A_113 = arith.mulf %get3A_37, %get3A_112 : vector<16xf32>
      %add3A_114 = arith.addf %add3A_108, %mul3A_113 : vector<16xf32>
      %get3A_115 = arith.constant 0 : i32
      %get3A_116 = arith.index_cast %get3A_115 : i32 to index
      %get3A_117 = arith.constant 96 : index
      %get3A_118 = tpu.vector_load %arg11[%get3A_116, %get3A_117] {strides = array<i32>} : memref<16x256xf32, #tpu.memory_space<vmem>>, vector<16xf32>,
      %mul3A_119 = arith.mulf %get3A_41, %get3A_118 : vector<16xf32>
      %add3A_120 = arith.addf %add3A_114, %mul3A_119 : vector<16xf32>
      %get3A_121 = arith.constant 0 : i32
      %get3A_122 = arith.index_cast %get3A_121 : i32 to index
      %get3A_123 = arith.constant 112 : index
      %get3A_124 = tpu.vector_load %arg11[%get3A_122, %get3A_123] {strides = array<i32>} : memref<16x256xf32, #tpu.memory_space<vmem>>, vector<16xf32>,
      %mul3A_125 = arith.mulf %get3A_45, %get3A_124 : vector<16xf32>
      %add3A_126 = arith.addf %add3A_120, %mul3A_125 : vector<16xf32>
      %get3A_127 = arith.constant 0 : i32
      %get3A_128 = arith.index_cast %get3A_127 : i32 to index
      %get3A_129 = arith.constant 128 : index
      %get3A_130 = tpu.vector_load %arg11[%get3A_128, %get3A_129] {strides = array<i32>} : memref<16x256xf32, #tpu.memory_space<vmem>>, vector<16xf32>,
      %mul3A_131 = arith.mulf %get3A_49, %get3A_130 : vector<16xf32>
      %add3A_132 = arith.addf %add3A_126, %mul3A_131 : vector<16xf32>
      %get3A_133 = arith.constant 0 : i32
      %get3A_134 = arith.index_cast %get3A_133 : i32 to index
      %get3A_135 = arith.constant 144 : index
      %get3A_136 = tpu.vector_load %arg11[%get3A_134, %get3A_135] {strides = array<i32>} : memref<16x256xf32, #tpu.memory_space<vmem>>, vector<16xf32>,
      %mul3A_137 = arith.mulf %get3A_53, %get3A_136 : vector<16xf32>
      %add3A_138 = arith.addf %add3A_132, %mul3A_137 : vector<16xf32>
      %get3A_139 = arith.constant 0 : i32
      %get3A_140 = arith.index_cast %get3A_139 : i32 to index
      %get3A_141 = arith.constant 160 : index
      %get3A_142 = tpu.vector_load %arg11[%get3A_140, %get3A_141] {strides = array<i32>} : memref<16x256xf32, #tpu.memory_space<vmem>>, vector<16xf32>,
      %mul3A_143 = arith.mulf %get3A_57, %get3A_142 : vector<16xf32>
      %add3A_144 = arith.addf %add3A_138, %mul3A_143 : vector<16xf32>
      %get3A_145 = arith.constant 0 : i32
      %get3A_146 = arith.index_cast %get3A_145 : i32 to index
      %get3A_147 = arith.constant 176 : index
      %get3A_148 = tpu.vector_load %arg11[%get3A_146, %get3A_147] {strides = array<i32>} : memref<16x256xf32, #tpu.memory_space<vmem>>, vector<16xf32>,
      %mul3A_149 = arith.mulf %get3A_61, %get3A_148 : vector<16xf32>
      %add3A_150 = arith.addf %add3A_144, %mul3A_149 : vector<16xf32>
      %get3A_151 = arith.constant 0 : i32
      %get3A_152 = arith.index_cast %get3A_151 : i32 to index
      %get3A_153 = arith.constant 192 : index
      %get3A_154 = tpu.vector_load %arg11[%get3A_152, %get3A_153] {strides = array<i32>} : memref<16x256xf32, #tpu.memory_space<vmem>>, vector<16xf32>,
      %mul3A_155 = arith.mulf %get3A_65, %get3A_154 : vector<16xf32>
      %add3A_156 = arith.addf %add3A_150, %mul3A_155 : vector<16xf32>
      %get3A_157 = arith.constant 0 : i32
      %get3A_158 = arith.index_cast %get3A_157 : i32 to index
      %get3A_159 = arith.constant 208 : index
      %get3A_160 = tpu.vector_load %arg11[%get3A_158, %get3A_159] {strides = array<i32>} : memref<16x256xf32, #tpu.memory_space<vmem>>, vector<16xf32>,
      %mul3A_161 = arith.mulf %get3A_69, %get3A_160 : vector<16xf32>
      %add3A_162 = arith.addf %add3A_156, %mul3A_161 : vector<16xf32>
      %get3A_163 = arith.constant 0 : i32
      %get3A_164 = arith.index_cast %get3A_163 : i32 to index
      %get3A_165 = arith.constant 224 : index
      %get3A_166 = tpu.vector_load %arg11[%get3A_164, %get3A_165] {strides = array<i32>} : memref<16x256xf32, #tpu.memory_space<vmem>>, vector<16xf32>,
      %mul3A_167 = arith.mulf %get3A_73, %get3A_166 : vector<16xf32>
      %add3A_168 = arith.addf %add3A_162, %mul3A_167 : vector<16xf32>
      %get3A_169 = arith.constant 0 : i32
      %get3A_170 = arith.index_cast %get3A_169 : i32 to index
      %get3A_171 = arith.constant 240 : index
      %get3A_172 = tpu.vector_load %arg11[%get3A_170, %get3A_171] {strides = array<i32>} : memref<16x256xf32, #tpu.memory_space<vmem>>, vector<16xf32>,
      %mul3A_173 = arith.mulf %get3A_77, %get3A_172 : vector<16xf32>
      %add3A_174 = arith.addf %add3A_168, %mul3A_173 : vector<16xf32>
      %reduce_sum3A = arith.constant true
      %reduce_sum3A_175 = vector.broadcast %reduce_sum3A : i1 to vector<16xi1>
      %reduce_sum3A_176 = tpu.scan <sum>, %add3A_174 masked %reduce_sum3A_175 : vector<16xf32>, vector<16xi1> -> vector<16xf32>
      %reduce_sum3A_177 = vector.extract %reduce_sum3A_176[15] : f32 from vector<16xf32>
      %eq3A = arith.constant 0 : i32
      %eq3A_178 = vector.broadcast %eq3A : i32 to vector<16xi32>
      %eq3A_179 = arith.cmpi eq, %iota3A, %eq3A_178 : vector<16xi32>
      %jit3A = arith.constant 0.000000e+00 : f32
      %broadcast_in_dim3A = vector.broadcast %reduce_sum3A_177 : f32 to vector<16xf32>
      %broadcast_in_dim3A_180 = vector.broadcast %jit3A : f32 to vector<16xf32>
      %select_n3A = arith.select %eq3A_179, %broadcast_in_dim3A, %broadcast_in_dim3A_180 : vector<16xi1>, vector<16xf32>
      %add3A_181 = arith.addf %get3A_79, %select_n3A : vector<16xf32>
      %get3A_182 = arith.constant 1 : i32
      %get3A_183 = arith.index_cast %get3A_182 : i32 to index
      %get3A_184 = arith.constant 0 : index
      %get3A_185 = tpu.vector_load %arg11[%get3A_183, %get3A_184] {strides = array<i32>} : memref<16x256xf32, #tpu.memory_space<vmem>>, vector<16xf32>,
      %mul3A_186 = arith.mulf %get3A_17, %get3A_185 : vector<16xf32>
      %get3A_187 = arith.constant 1 : i32
      %get3A_188 = arith.index_cast %get3A_187 : i32 to index
      %get3A_189 = arith.constant 16 : index
      %get3A_190 = tpu.vector_load %arg11[%get3A_188, %get3A_189] {strides = array<i32>} : memref<16x256xf32, #tpu.memory_space<vmem>>, vector<16xf32>,
      %mul3A_191 = arith.mulf %get3A_21, %get3A_190 : vector<16xf32>
      %add3A_192 = arith.addf %mul3A_186, %mul3A_191 : vector<16xf32>
      %get3A_193 = arith.constant 1 : i32
      %get3A_194 = arith.index_cast %get3A_193 : i32 to index
      %get3A_195 = arith.constant 32 : index
      %get3A_196 = tpu.vector_load %arg11[%get3A_194, %get3A_195] {strides = array<i32>} : memref<16x256xf32, #tpu.memory_space<vmem>>, vector<16xf32>,
      %mul3A_197 = arith.mulf %get3A_25, %get3A_196 : vector<16xf32>
      %add3A_198 = arith.addf %add3A_192, %mul3A_197 : vector<16xf32>
      %get3A_199 = arith.constant 1 : i32
      %get3A_200 = arith.index_cast %get3A_199 : i32 to index
      %get3A_201 = arith.constant 48 : index
      %get3A_202 = tpu.vector_load %arg11[%get3A_200, %get3A_201] {strides = array<i32>} : memref<16x256xf32, #tpu.memory_space<vmem>>, vector<16xf32>,
      %mul3A_203 = arith.mulf %get3A_29, %get3A_202 : vector<16xf32>
      %add3A_204 = arith.addf %add3A_198, %mul3A_203 : vector<16xf32>
      %get3A_205 = arith.constant 1 : i32
      %get3A_206 = arith.index_cast %get3A_205 : i32 to index
      %get3A_207 = arith.constant 64 : index
      %get3A_208 = tpu.vector_load %arg11[%get3A_206, %get3A_207] {strides = array<i32>} : memref<16x256xf32, #tpu.memory_space<vmem>>, vector<16xf32>,
      %mul3A_209 = arith.mulf %get3A_33, %get3A_208 : vector<16xf32>
      %add3A_210 = arith.addf %add3A_204, %mul3A_209 : vector<16xf32>
      %get3A_211 = arith.constant 1 : i32
      %get3A_212 = arith.index_cast %get3A_211 : i32 to index
      %get3A_213 = arith.constant 80 : index
      %get3A_214 = tpu.vector_load %arg11[%get3A_212, %get3A_213] {strides = array<i32>} : memref<16x256xf32, #tpu.memory_space<vmem>>, vector<16xf32>,
      %mul3A_215 = arith.mulf %get3A_37, %get3A_214 : vector<16xf32>
      %add3A_216 = arith.addf %add3A_210, %mul3A_215 : vector<16xf32>
      %get3A_217 = arith.constant 1 : i32
      %get3A_218 = arith.index_cast %get3A_217 : i32 to index
      %get3A_219 = arith.constant 96 : index
      %get3A_220 = tpu.vector_load %arg11[%get3A_218, %get3A_219] {strides = array<i32>} : memref<16x256xf32, #tpu.memory_space<vmem>>, vector<16xf32>,
      %mul3A_221 = arith.mulf %get3A_41, %get3A_220 : vector<16xf32>
      %add3A_222 = arith.addf %add3A_216, %mul3A_221 : vector<16xf32>
      %get3A_223 = arith.constant 1 : i32
      %get3A_224 = arith.index_cast %get3A_223 : i32 to index
      %get3A_225 = arith.constant 112 : index
      %get3A_226 = tpu.vector_load %arg11[%get3A_224, %get3A_225] {strides = array<i32>} : memref<16x256xf32, #tpu.memory_space<vmem>>, vector<16xf32>,
      %mul3A_227 = arith.mulf %get3A_45, %get3A_226 : vector<16xf32>
      %add3A_228 = arith.addf %add3A_222, %mul3A_227 : vector<16xf32>
      %get3A_229 = arith.constant 1 : i32
      %get3A_230 = arith.index_cast %get3A_229 : i32 to index
      %get3A_231 = arith.constant 128 : index
      %get3A_232 = tpu.vector_load %arg11[%get3A_230, %get3A_231] {strides = array<i32>} : memref<16x256xf32, #tpu.memory_space<vmem>>, vector<16xf32>,
      %mul3A_233 = arith.mulf %get3A_49, %get3A_232 : vector<16xf32>
      %add3A_234 = arith.addf %add3A_228, %mul3A_233 : vector<16xf32>
      %get3A_235 = arith.constant 1 : i32
      %get3A_236 = arith.index_cast %get3A_235 : i32 to index
      %get3A_237 = arith.constant 144 : index
      %get3A_238 = tpu.vector_load %arg11[%get3A_236, %get3A_237] {strides = array<i32>} : memref<16x256xf32, #tpu.memory_space<vmem>>, vector<16xf32>,
      %mul3A_239 = arith.mulf %get3A_53, %get3A_238 : vector<16xf32>
      %add3A_240 = arith.addf %add3A_234, %mul3A_239 : vector<16xf32>
      %get3A_241 = arith.constant 1 : i32
      %get3A_242 = arith.index_cast %get3A_241 : i32 to index
      %get3A_243 = arith.constant 160 : index
      %get3A_244 = tpu.vector_load %arg11[%get3A_242, %get3A_243] {strides = array<i32>} : memref<16x256xf32, #tpu.memory_space<vmem>>, vector<16xf32>,
      %mul3A_245 = arith.mulf %get3A_57, %get3A_244 : vector<16xf32>
      %add3A_246 = arith.addf %add3A_240, %mul3A_245 : vector<16xf32>
      %get3A_247 = arith.constant 1 : i32
      %get3A_248 = arith.index_cast %get3A_247 : i32 to index
      %get3A_249 = arith.constant 176 : index
      %get3A_250 = tpu.vector_load %arg11[%get3A_248, %get3A_249] {strides = array<i32>} : memref<16x256xf32, #tpu.memory_space<vmem>>, vector<16xf32>,
      %mul3A_251 = arith.mulf %get3A_61, %get3A_250 : vector<16xf32>
      %add3A_252 = arith.addf %add3A_246, %mul3A_251 : vector<16xf32>
      %get3A_253 = arith.constant 1 : i32
      %get3A_254 = arith.index_cast %get3A_253 : i32 to index
      %get3A_255 = arith.constant 192 : index
      %get3A_256 = tpu.vector_load %arg11[%get3A_254, %get3A_255] {strides = array<i32>} : memref<16x256xf32, #tpu.memory_space<vmem>>, vector<16xf32>,
      %mul3A_257 = arith.mulf %get3A_65, %get3A_256 : vector<16xf32>
      %add3A_258 = arith.addf %add3A_252, %mul3A_257 : vector<16xf32>
      %get3A_259 = arith.constant 1 : i32
      %get3A_260 = arith.index_cast %get3A_259 : i32 to index
      %get3A_261 = arith.constant 208 : index
      %get3A_262 = tpu.vector_load %arg11[%get3A_260, %get3A_261] {strides = array<i32>} : memref<16x256xf32, #tpu.memory_space<vmem>>, vector<16xf32>,
      %mul3A_263 = arith.mulf %get3A_69, %get3A_262 : vector<16xf32>
      %add3A_264 = arith.addf %add3A_258, %mul3A_263 : vector<16xf32>
      %get3A_265 = arith.constant 1 : i32
      %get3A_266 = arith.index_cast %get3A_265 : i32 to index
      %get3A_267 = arith.constant 224 : index
      %get3A_268 = tpu.vector_load %arg11[%get3A_266, %get3A_267] {strides = array<i32>} : memref<16x256xf32, #tpu.memory_space<vmem>>, vector<16xf32>,
      %mul3A_269 = arith.mulf %get3A_73, %get3A_268 : vector<16xf32>
      %add3A_270 = arith.addf %add3A_264, %mul3A_269 : vector<16xf32>
      %get3A_271 = arith.constant 1 : i32
      %get3A_272 = arith.index_cast %get3A_271 : i32 to index
      %get3A_273 = arith.constant 240 : index
      %get3A_274 = tpu.vector_load %arg11[%get3A_272, %get3A_273] {strides = array<i32>} : memref<16x256xf32, #tpu.memory_space<vmem>>, vector<16xf32>,
      %mul3A_275 = arith.mulf %get3A_77, %get3A_274 : vector<16xf32>
      %add3A_276 = arith.addf %add3A_270, %mul3A_275 : vector<16xf32>
      %reduce_sum3A_277 = arith.constant true
      %reduce_sum3A_278 = vector.broadcast %reduce_sum3A_277 : i1 to vector<16xi1>
      %reduce_sum3A_279 = tpu.scan <sum>, %add3A_276 masked %reduce_sum3A_278 : vector<16xf32>, vector<16xi1> -> vector<16xf32>
      %reduce_sum3A_280 = vector.extract %reduce_sum3A_279[15] : f32 from vector<16xf32>
      %eq3A_281 = arith.constant 1 : i32
      %eq3A_282 = vector.broadcast %eq3A_281 : i32 to vector<16xi32>
      %eq3A_283 = arith.cmpi eq, %iota3A, %eq3A_282 : vector<16xi32>
      %jit3A_284 = arith.constant 0.000000e+00 : f32
      %broadcast_in_dim3A_285 = vector.broadcast %reduce_sum3A_280 : f32 to vector<16xf32>
      %broadcast_in_dim3A_286 = vector.broadcast %jit3A_284 : f32 to vector<16xf32>
      %select_n3A_287 = arith.select %eq3A_283, %broadcast_in_dim3A_285, %broadcast_in_dim3A_286 : vector<16xi1>, vector<16xf32>
      %add3A_288 = arith.addf %add3A_181, %select_n3A_287 : vector<16xf32>
      %get3A_289 = arith.constant 2 : i32
      %get3A_290 = arith.index_cast %get3A_289 : i32 to index
      %get3A_291 = arith.constant 0 : index
      %get3A_292 = tpu.vector_load %arg11[%get3A_290, %get3A_291] {strides = array<i32>} : memref<16x256xf32, #tpu.memory_space<vmem>>, vector<16xf32>,
      %mul3A_293 = arith.mulf %get3A_17, %get3A_292 : vector<16xf32>
      %get3A_294 = arith.constant 2 : i32
      %get3A_295 = arith.index_cast %get3A_294 : i32 to index
      %get3A_296 = arith.constant 16 : index
      %get3A_297 = tpu.vector_load %arg11[%get3A_295, %get3A_296] {strides = array<i32>} : memref<16x256xf32, #tpu.memory_space<vmem>>, vector<16xf32>,
      %mul3A_298 = arith.mulf %get3A_21, %get3A_297 : vector<16xf32>
      %add3A_299 = arith.addf %mul3A_293, %mul3A_298 : vector<16xf32>
      %get3A_300 = arith.constant 2 : i32
      %get3A_301 = arith.index_cast %get3A_300 : i32 to index
      %get3A_302 = arith.constant 32 : index
      %get3A_303 = tpu.vector_load %arg11[%get3A_301, %get3A_302] {strides = array<i32>} : memref<16x256xf32, #tpu.memory_space<vmem>>, vector<16xf32>,
      %mul3A_304 = arith.mulf %get3A_25, %get3A_303 : vector<16xf32>
      %add3A_305 = arith.addf %add3A_299, %mul3A_304 : vector<16xf32>
      %get3A_306 = arith.constant 2 : i32
      %get3A_307 = arith.index_cast %get3A_306 : i32 to index
      %get3A_308 = arith.constant 48 : index
      %get3A_309 = tpu.vector_load %arg11[%get3A_307, %get3A_308] {strides = array<i32>} : memref<16x256xf32, #tpu.memory_space<vmem>>, vector<16xf32>,
      %mul3A_310 = arith.mulf %get3A_29, %get3A_309 : vector<16xf32>
      %add3A_311 = arith.addf %add3A_305, %mul3A_310 : vector<16xf32>
      %get3A_312 = arith.constant 2 : i32
      %get3A_313 = arith.index_cast %get3A_312 : i32 to index
      %get3A_314 = arith.constant 64 : index
      %get3A_315 = tpu.vector_load %arg11[%get3A_313, %get3A_314] {strides = array<i32>} : memref<16x256xf32, #tpu.memory_space<vmem>>, vector<16xf32>,
      %mul3A_316 = arith.mulf %get3A_33, %get3A_315 : vector<16xf32>
      %add3A_317 = arith.addf %add3A_311, %mul3A_316 : vector<16xf32>
      %get3A_318 = arith.constant 2 : i32
      %get3A_319 = arith.index_cast %get3A_318 : i32 to index
      %get3A_320 = arith.constant 80 : index
      %get3A_321 = tpu.vector_load %arg11[%get3A_319, %get3A_320] {strides = array<i32>} : memref<16x256xf32, #tpu.memory_space<vmem>>, vector<16xf32>,
      %mul3A_322 = arith.mulf %get3A_37, %get3A_321 : vector<16xf32>
      %add3A_323 = arith.addf %add3A_317, %mul3A_322 : vector<16xf32>
      %get3A_324 = arith.constant 2 : i32
      %get3A_325 = arith.index_cast %get3A_324 : i32 to index
      %get3A_326 = arith.constant 96 : index
      %get3A_327 = tpu.vector_load %arg11[%get3A_325, %get3A_326] {strides = array<i32>} : memref<16x256xf32, #tpu.memory_space<vmem>>, vector<16xf32>,
      %mul3A_328 = arith.mulf %get3A_41, %get3A_327 : vector<16xf32>
      %add3A_329 = arith.addf %add3A_323, %mul3A_328 : vector<16xf32>
      %get3A_330 = arith.constant 2 : i32
      %get3A_331 = arith.index_cast %get3A_330 : i32 to index
      %get3A_332 = arith.constant 112 : index
      %get3A_333 = tpu.vector_load %arg11[%get3A_331, %get3A_332] {strides = array<i32>} : memref<16x256xf32, #tpu.memory_space<vmem>>, vector<16xf32>,
      %mul3A_334 = arith.mulf %get3A_45, %get3A_333 : vector<16xf32>
      %add3A_335 = arith.addf %add3A_329, %mul3A_334 : vector<16xf32>
      %get3A_336 = arith.constant 2 : i32
      %get3A_337 = arith.index_cast %get3A_336 : i32 to index
      %get3A_338 = arith.constant 128 : index
      %get3A_339 = tpu.vector_load %arg11[%get3A_337, %get3A_338] {strides = array<i32>} : memref<16x256xf32, #tpu.memory_space<vmem>>, vector<16xf32>,
      %mul3A_340 = arith.mulf %get3A_49, %get3A_339 : vector<16xf32>
      %add3A_341 = arith.addf %add3A_335, %mul3A_340 : vector<16xf32>
      %get3A_342 = arith.constant 2 : i32
      %get3A_343 = arith.index_cast %get3A_342 : i32 to index
      %get3A_344 = arith.constant 144 : index
      %get3A_345 = tpu.vector_load %arg11[%get3A_343, %get3A_344] {strides = array<i32>} : memref<16x256xf32, #tpu.memory_space<vmem>>, vector<16xf32>,
      %mul3A_346 = arith.mulf %get3A_53, %get3A_345 : vector<16xf32>
      %add3A_347 = arith.addf %add3A_341, %mul3A_346 : vector<16xf32>
      %get3A_348 = arith.constant 2 : i32
      %get3A_349 = arith.index_cast %get3A_348 : i32 to index
      %get3A_350 = arith.constant 160 : index
      %get3A_351 = tpu.vector_load %arg11[%get3A_349, %get3A_350] {strides = array<i32>} : memref<16x256xf32, #tpu.memory_space<vmem>>, vector<16xf32>,
      %mul3A_352 = arith.mulf %get3A_57, %get3A_351 : vector<16xf32>
      %add3A_353 = arith.addf %add3A_347, %mul3A_352 : vector<16xf32>
      %get3A_354 = arith.constant 2 : i32
      %get3A_355 = arith.index_cast %get3A_354 : i32 to index
      %get3A_356 = arith.constant 176 : index
      %get3A_357 = tpu.vector_load %arg11[%get3A_355, %get3A_356] {strides = array<i32>} : memref<16x256xf32, #tpu.memory_space<vmem>>, vector<16xf32>,
      %mul3A_358 = arith.mulf %get3A_61, %get3A_357 : vector<16xf32>
      %add3A_359 = arith.addf %add3A_353, %mul3A_358 : vector<16xf32>
      %get3A_360 = arith.constant 2 : i32
      %get3A_361 = arith.index_cast %get3A_360 : i32 to index
      %get3A_362 = arith.constant 192 : index
      %get3A_363 = tpu.vector_load %arg11[%get3A_361, %get3A_362] {strides = array<i32>} : memref<16x256xf32, #tpu.memory_space<vmem>>, vector<16xf32>,
      %mul3A_364 = arith.mulf %get3A_65, %get3A_363 : vector<16xf32>
      %add3A_365 = arith.addf %add3A_359, %mul3A_364 : vector<16xf32>
      %get3A_366 = arith.constant 2 : i32
      %get3A_367 = arith.index_cast %get3A_366 : i32 to index
      %get3A_368 = arith.constant 208 : index
      %get3A_369 = tpu.vector_load %arg11[%get3A_367, %get3A_368] {strides = array<i32>} : memref<16x256xf32, #tpu.memory_space<vmem>>, vector<16xf32>,
      %mul3A_370 = arith.mulf %get3A_69, %get3A_369 : vector<16xf32>
      %add3A_371 = arith.addf %add3A_365, %mul3A_370 : vector<16xf32>
      %get3A_372 = arith.constant 2 : i32
      %get3A_373 = arith.index_cast %get3A_372 : i32 to index
      %get3A_374 = arith.constant 224 : index
      %get3A_375 = tpu.vector_load %arg11[%get3A_373, %get3A_374] {strides = array<i32>} : memref<16x256xf32, #tpu.memory_space<vmem>>, vector<16xf32>,
      %mul3A_376 = arith.mulf %get3A_73, %get3A_375 : vector<16xf32>
      %add3A_377 = arith.addf %add3A_371, %mul3A_376 : vector<16xf32>
      %get3A_378 = arith.constant 2 : i32
      %get3A_379 = arith.index_cast %get3A_378 : i32 to index
      %get3A_380 = arith.constant 240 : index
      %get3A_381 = tpu.vector_load %arg11[%get3A_379, %get3A_380] {strides = array<i32>} : memref<16x256xf32, #tpu.memory_space<vmem>>, vector<16xf32>,
      %mul3A_382 = arith.mulf %get3A_77, %get3A_381 : vector<16xf32>
      %add3A_383 = arith.addf %add3A_377, %mul3A_382 : vector<16xf32>
      %reduce_sum3A_384 = arith.constant true
      %reduce_sum3A_385 = vector.broadcast %reduce_sum3A_384 : i1 to vector<16xi1>
      %reduce_sum3A_386 = tpu.scan <sum>, %add3A_383 masked %reduce_sum3A_385 : vector<16xf32>, vector<16xi1> -> vector<16xf32>
      %reduce_sum3A_387 = vector.extract %reduce_sum3A_386[15] : f32 from vector<16xf32>
      %eq3A_388 = arith.constant 2 : i32
      %eq3A_389 = vector.broadcast %eq3A_388 : i32 to vector<16xi32>
      %eq3A_390 = arith.cmpi eq, %iota3A, %eq3A_389 : vector<16xi32>
      %jit3A_391 = arith.constant 0.000000e+00 : f32
      %broadcast_in_dim3A_392 = vector.broadcast %reduce_sum3A_387 : f32 to vector<16xf32>
      %broadcast_in_dim3A_393 = vector.broadcast %jit3A_391 : f32 to vector<16xf32>
      %select_n3A_394 = arith.select %eq3A_390, %broadcast_in_dim3A_392, %broadcast_in_dim3A_393 : vector<16xi1>, vector<16xf32>
      %add3A_395 = arith.addf %add3A_288, %select_n3A_394 : vector<16xf32>
      %get3A_396 = arith.constant 3 : i32
      %get3A_397 = arith.index_cast %get3A_396 : i32 to index
      %get3A_398 = arith.constant 0 : index
      %get3A_399 = tpu.vector_load %arg11[%get3A_397, %get3A_398] {strides = array<i32>} : memref<16x256xf32, #tpu.memory_space<vmem>>, vector<16xf32>,
      %mul3A_400 = arith.mulf %get3A_17, %get3A_399 : vector<16xf32>
      %get3A_401 = arith.constant 3 : i32
      %get3A_402 = arith.index_cast %get3A_401 : i32 to index
      %get3A_403 = arith.constant 16 : index
      %get3A_404 = tpu.vector_load %arg11[%get3A_402, %get3A_403] {strides = array<i32>} : memref<16x256xf32, #tpu.memory_space<vmem>>, vector<16xf32>,
      %mul3A_405 = arith.mulf %get3A_21, %get3A_404 : vector<16xf32>
      %add3A_406 = arith.addf %mul3A_400, %mul3A_405 : vector<16xf32>
      %get3A_407 = arith.constant 3 : i32
      %get3A_408 = arith.index_cast %get3A_407 : i32 to index
      %get3A_409 = arith.constant 32 : index
      %get3A_410 = tpu.vector_load %arg11[%get3A_408, %get3A_409] {strides = array<i32>} : memref<16x256xf32, #tpu.memory_space<vmem>>, vector<16xf32>,
      %mul3A_411 = arith.mulf %get3A_25, %get3A_410 : vector<16xf32>
      %add3A_412 = arith.addf %add3A_406, %mul3A_411 : vector<16xf32>
      %get3A_413 = arith.constant 3 : i32
      %get3A_414 = arith.index_cast %get3A_413 : i32 to index
      %get3A_415 = arith.constant 48 : index
      %get3A_416 = tpu.vector_load %arg11[%get3A_414, %get3A_415] {strides = array<i32>} : memref<16x256xf32, #tpu.memory_space<vmem>>, vector<16xf32>,
      %mul3A_417 = arith.mulf %get3A_29, %get3A_416 : vector<16xf32>
      %add3A_418 = arith.addf %add3A_412, %mul3A_417 : vector<16xf32>
      %get3A_419 = arith.constant 3 : i32
      %get3A_420 = arith.index_cast %get3A_419 : i32 to index
      %get3A_421 = arith.constant 64 : index
      %get3A_422 = tpu.vector_load %arg11[%get3A_420, %get3A_421] {strides = array<i32>} : memref<16x256xf32, #tpu.memory_space<vmem>>, vector<16xf32>,
      %mul3A_423 = arith.mulf %get3A_33, %get3A_422 : vector<16xf32>
      %add3A_424 = arith.addf %add3A_418, %mul3A_423 : vector<16xf32>
      %get3A_425 = arith.constant 3 : i32
      %get3A_426 = arith.index_cast %get3A_425 : i32 to index
      %get3A_427 = arith.constant 80 : index
      %get3A_428 = tpu.vector_load %arg11[%get3A_426, %get3A_427] {strides = array<i32>} : memref<16x256xf32, #tpu.memory_space<vmem>>, vector<16xf32>,
      %mul3A_429 = arith.mulf %get3A_37, %get3A_428 : vector<16xf32>
      %add3A_430 = arith.addf %add3A_424, %mul3A_429 : vector<16xf32>
      %get3A_431 = arith.constant 3 : i32
      %get3A_432 = arith.index_cast %get3A_431 : i32 to index
      %get3A_433 = arith.constant 96 : index
      %get3A_434 = tpu.vector_load %arg11[%get3A_432, %get3A_433] {strides = array<i32>} : memref<16x256xf32, #tpu.memory_space<vmem>>, vector<16xf32>,
      %mul3A_435 = arith.mulf %get3A_41, %get3A_434 : vector<16xf32>
      %add3A_436 = arith.addf %add3A_430, %mul3A_435 : vector<16xf32>
      %get3A_437 = arith.constant 3 : i32
      %get3A_438 = arith.index_cast %get3A_437 : i32 to index
      %get3A_439 = arith.constant 112 : index
      %get3A_440 = tpu.vector_load %arg11[%get3A_438, %get3A_439] {strides = array<i32>} : memref<16x256xf32, #tpu.memory_space<vmem>>, vector<16xf32>,
      %mul3A_441 = arith.mulf %get3A_45, %get3A_440 : vector<16xf32>
      %add3A_442 = arith.addf %add3A_436, %mul3A_441 : vector<16xf32>
      %get3A_443 = arith.constant 3 : i32
      %get3A_444 = arith.index_cast %get3A_443 : i32 to index
      %get3A_445 = arith.constant 128 : index
      %get3A_446 = tpu.vector_load %arg11[%get3A_444, %get3A_445] {strides = array<i32>} : memref<16x256xf32, #tpu.memory_space<vmem>>, vector<16xf32>,
      %mul3A_447 = arith.mulf %get3A_49, %get3A_446 : vector<16xf32>
      %add3A_448 = arith.addf %add3A_442, %mul3A_447 : vector<16xf32>
      %get3A_449 = arith.constant 3 : i32
      %get3A_450 = arith.index_cast %get3A_449 : i32 to index
      %get3A_451 = arith.constant 144 : index
      %get3A_452 = tpu.vector_load %arg11[%get3A_450, %get3A_451] {strides = array<i32>} : memref<16x256xf32, #tpu.memory_space<vmem>>, vector<16xf32>,
      %mul3A_453 = arith.mulf %get3A_53, %get3A_452 : vector<16xf32>
      %add3A_454 = arith.addf %add3A_448, %mul3A_453 : vector<16xf32>
      %get3A_455 = arith.constant 3 : i32
      %get3A_456 = arith.index_cast %get3A_455 : i32 to index
      %get3A_457 = arith.constant 160 : index
      %get3A_458 = tpu.vector_load %arg11[%get3A_456, %get3A_457] {strides = array<i32>} : memref<16x256xf32, #tpu.memory_space<vmem>>, vector<16xf32>,
      %mul3A_459 = arith.mulf %get3A_57, %get3A_458 : vector<16xf32>
      %add3A_460 = arith.addf %add3A_454, %mul3A_459 : vector<16xf32>
      %get3A_461 = arith.constant 3 : i32
      %get3A_462 = arith.index_cast %get3A_461 : i32 to index
      %get3A_463 = arith.constant 176 : index
      %get3A_464 = tpu.vector_load %arg11[%get3A_462, %get3A_463] {strides = array<i32>} : memref<16x256xf32, #tpu.memory_space<vmem>>, vector<16xf32>,
      %mul3A_465 = arith.mulf %get3A_61, %get3A_464 : vector<16xf32>
      %add3A_466 = arith.addf %add3A_460, %mul3A_465 : vector<16xf32>
      %get3A_467 = arith.constant 3 : i32
      %get3A_468 = arith.index_cast %get3A_467 : i32 to index
      %get3A_469 = arith.constant 192 : index
      %get3A_470 = tpu.vector_load %arg11[%get3A_468, %get3A_469] {strides = array<i32>} : memref<16x256xf32, #tpu.memory_space<vmem>>, vector<16xf32>,
      %mul3A_471 = arith.mulf %get3A_65, %get3A_470 : vector<16xf32>
      %add3A_472 = arith.addf %add3A_466, %mul3A_471 : vector<16xf32>
      %get3A_473 = arith.constant 3 : i32
      %get3A_474 = arith.index_cast %get3A_473 : i32 to index
      %get3A_475 = arith.constant 208 : index
      %get3A_476 = tpu.vector_load %arg11[%get3A_474, %get3A_475] {strides = array<i32>} : memref<16x256xf32, #tpu.memory_space<vmem>>, vector<16xf32>,
      %mul3A_477 = arith.mulf %get3A_69, %get3A_476 : vector<16xf32>
      %add3A_478 = arith.addf %add3A_472, %mul3A_477 : vector<16xf32>
      %get3A_479 = arith.constant 3 : i32
      %get3A_480 = arith.index_cast %get3A_479 : i32 to index
      %get3A_481 = arith.constant 224 : index
      %get3A_482 = tpu.vector_load %arg11[%get3A_480, %get3A_481] {strides = array<i32>} : memref<16x256xf32, #tpu.memory_space<vmem>>, vector<16xf32>,
      %mul3A_483 = arith.mulf %get3A_73, %get3A_482 : vector<16xf32>
      %add3A_484 = arith.addf %add3A_478, %mul3A_483 : vector<16xf32>
      %get3A_485 = arith.constant 3 : i32
      %get3A_486 = arith.index_cast %get3A_485 : i32 to index
      %get3A_487 = arith.constant 240 : index
      %get3A_488 = tpu.vector_load %arg11[%get3A_486, %get3A_487] {strides = array<i32>} : memref<16x256xf32, #tpu.memory_space<vmem>>, vector<16xf32>,
      %mul3A_489 = arith.mulf %get3A_77, %get3A_488 : vector<16xf32>
      %add3A_490 = arith.addf %add3A_484, %mul3A_489 : vector<16xf32>
      %reduce_sum3A_491 = arith.constant true
      %reduce_sum3A_492 = vector.broadcast %reduce_sum3A_491 : i1 to vector<16xi1>
      %reduce_sum3A_493 = tpu.scan <sum>, %add3A_490 masked %reduce_sum3A_492 : vector<16xf32>, vector<16xi1> -> vector<16xf32>
      %reduce_sum3A_494 = vector.extract %reduce_sum3A_493[15] : f32 from vector<16xf32>
      %eq3A_495 = arith.constant 3 : i32
      %eq3A_496 = vector.broadcast %eq3A_495 : i32 to vector<16xi32>
      %eq3A_497 = arith.cmpi eq, %iota3A, %eq3A_496 : vector<16xi32>
      %jit3A_498 = arith.constant 0.000000e+00 : f32
      %broadcast_in_dim3A_499 = vector.broadcast %reduce_sum3A_494 : f32 to vector<16xf32>
      %broadcast_in_dim3A_500 = vector.broadcast %jit3A_498 : f32 to vector<16xf32>
      %select_n3A_501 = arith.select %eq3A_497, %broadcast_in_dim3A_499, %broadcast_in_dim3A_500 : vector<16xi1>, vector<16xf32>
      %add3A_502 = arith.addf %add3A_395, %select_n3A_501 : vector<16xf32>
      %get3A_503 = arith.constant 4 : i32
      %get3A_504 = arith.index_cast %get3A_503 : i32 to index
      %get3A_505 = arith.constant 0 : index
      %get3A_506 = tpu.vector_load %arg11[%get3A_504, %get3A_505] {strides = array<i32>} : memref<16x256xf32, #tpu.memory_space<vmem>>, vector<16xf32>,
      %mul3A_507 = arith.mulf %get3A_17, %get3A_506 : vector<16xf32>
      %get3A_508 = arith.constant 4 : i32
      %get3A_509 = arith.index_cast %get3A_508 : i32 to index
      %get3A_510 = arith.constant 16 : index
      %get3A_511 = tpu.vector_load %arg11[%get3A_509, %get3A_510] {strides = array<i32>} : memref<16x256xf32, #tpu.memory_space<vmem>>, vector<16xf32>,
      %mul3A_512 = arith.mulf %get3A_21, %get3A_511 : vector<16xf32>
      %add3A_513 = arith.addf %mul3A_507, %mul3A_512 : vector<16xf32>
      %get3A_514 = arith.constant 4 : i32
      %get3A_515 = arith.index_cast %get3A_514 : i32 to index
      %get3A_516 = arith.constant 32 : index
      %get3A_517 = tpu.vector_load %arg11[%get3A_515, %get3A_516] {strides = array<i32>} : memref<16x256xf32, #tpu.memory_space<vmem>>, vector<16xf32>,
      %mul3A_518 = arith.mulf %get3A_25, %get3A_517 : vector<16xf32>
      %add3A_519 = arith.addf %add3A_513, %mul3A_518 : vector<16xf32>
      %get3A_520 = arith.constant 4 : i32
      %get3A_521 = arith.index_cast %get3A_520 : i32 to index
      %get3A_522 = arith.constant 48 : index
      %get3A_523 = tpu.vector_load %arg11[%get3A_521, %get3A_522] {strides = array<i32>} : memref<16x256xf32, #tpu.memory_space<vmem>>, vector<16xf32>,
      %mul3A_524 = arith.mulf %get3A_29, %get3A_523 : vector<16xf32>
      %add3A_525 = arith.addf %add3A_519, %mul3A_524 : vector<16xf32>
      %get3A_526 = arith.constant 4 : i32
      %get3A_527 = arith.index_cast %get3A_526 : i32 to index
      %get3A_528 = arith.constant 64 : index
      %get3A_529 = tpu.vector_load %arg11[%get3A_527, %get3A_528] {strides = array<i32>} : memref<16x256xf32, #tpu.memory_space<vmem>>, vector<16xf32>,
      %mul3A_530 = arith.mulf %get3A_33, %get3A_529 : vector<16xf32>
      %add3A_531 = arith.addf %add3A_525, %mul3A_530 : vector<16xf32>
      %get3A_532 = arith.constant 4 : i32
      %get3A_533 = arith.index_cast %get3A_532 : i32 to index
      %get3A_534 = arith.constant 80 : index
      %get3A_535 = tpu.vector_load %arg11[%get3A_533, %get3A_534] {strides = array<i32>} : memref<16x256xf32, #tpu.memory_space<vmem>>, vector<16xf32>,
      %mul3A_536 = arith.mulf %get3A_37, %get3A_535 : vector<16xf32>
      %add3A_537 = arith.addf %add3A_531, %mul3A_536 : vector<16xf32>
      %get3A_538 = arith.constant 4 : i32
      %get3A_539 = arith.index_cast %get3A_538 : i32 to index
      %get3A_540 = arith.constant 96 : index
      %get3A_541 = tpu.vector_load %arg11[%get3A_539, %get3A_540] {strides = array<i32>} : memref<16x256xf32, #tpu.memory_space<vmem>>, vector<16xf32>,
      %mul3A_542 = arith.mulf %get3A_41, %get3A_541 : vector<16xf32>
      %add3A_543 = arith.addf %add3A_537, %mul3A_542 : vector<16xf32>
      %get3A_544 = arith.constant 4 : i32
      %get3A_545 = arith.index_cast %get3A_544 : i32 to index
      %get3A_546 = arith.constant 112 : index
      %get3A_547 = tpu.vector_load %arg11[%get3A_545, %get3A_546] {strides = array<i32>} : memref<16x256xf32, #tpu.memory_space<vmem>>, vector<16xf32>,
      %mul3A_548 = arith.mulf %get3A_45, %get3A_547 : vector<16xf32>
      %add3A_549 = arith.addf %add3A_543, %mul3A_548 : vector<16xf32>
      %get3A_550 = arith.constant 4 : i32
      %get3A_551 = arith.index_cast %get3A_550 : i32 to index
      %get3A_552 = arith.constant 128 : index
      %get3A_553 = tpu.vector_load %arg11[%get3A_551, %get3A_552] {strides = array<i32>} : memref<16x256xf32, #tpu.memory_space<vmem>>, vector<16xf32>,
      %mul3A_554 = arith.mulf %get3A_49, %get3A_553 : vector<16xf32>
      %add3A_555 = arith.addf %add3A_549, %mul3A_554 : vector<16xf32>
      %get3A_556 = arith.constant 4 : i32
      %get3A_557 = arith.index_cast %get3A_556 : i32 to index
      %get3A_558 = arith.constant 144 : index
      %get3A_559 = tpu.vector_load %arg11[%get3A_557, %get3A_558] {strides = array<i32>} : memref<16x256xf32, #tpu.memory_space<vmem>>, vector<16xf32>,
      %mul3A_560 = arith.mulf %get3A_53, %get3A_559 : vector<16xf32>
      %add3A_561 = arith.addf %add3A_555, %mul3A_560 : vector<16xf32>
      %get3A_562 = arith.constant 4 : i32
      %get3A_563 = arith.index_cast %get3A_562 : i32 to index
      %get3A_564 = arith.constant 160 : index
      %get3A_565 = tpu.vector_load %arg11[%get3A_563, %get3A_564] {strides = array<i32>} : memref<16x256xf32, #tpu.memory_space<vmem>>, vector<16xf32>,
      %mul3A_566 = arith.mulf %get3A_57, %get3A_565 : vector<16xf32>
      %add3A_567 = arith.addf %add3A_561, %mul3A_566 : vector<16xf32>
      %get3A_568 = arith.constant 4 : i32
      %get3A_569 = arith.index_cast %get3A_568 : i32 to index
      %get3A_570 = arith.constant 176 : index
      %get3A_571 = tpu.vector_load %arg11[%get3A_569, %get3A_570] {strides = array<i32>} : memref<16x256xf32, #tpu.memory_space<vmem>>, vector<16xf32>,
      %mul3A_572 = arith.mulf %get3A_61, %get3A_571 : vector<16xf32>
      %add3A_573 = arith.addf %add3A_567, %mul3A_572 : vector<16xf32>
      %get3A_574 = arith.constant 4 : i32
      %get3A_575 = arith.index_cast %get3A_574 : i32 to index
      %get3A_576 = arith.constant 192 : index
      %get3A_577 = tpu.vector_load %arg11[%get3A_575, %get3A_576] {strides = array<i32>} : memref<16x256xf32, #tpu.memory_space<vmem>>, vector<16xf32>,
      %mul3A_578 = arith.mulf %get3A_65, %get3A_577 : vector<16xf32>
      %add3A_579 = arith.addf %add3A_573, %mul3A_578 : vector<16xf32>
      %get3A_580 = arith.constant 4 : i32
      %get3A_581 = arith.index_cast %get3A_580 : i32 to index
      %get3A_582 = arith.constant 208 : index
      %get3A_583 = tpu.vector_load %arg11[%get3A_581, %get3A_582] {strides = array<i32>} : memref<16x256xf32, #tpu.memory_space<vmem>>, vector<16xf32>,
      %mul3A_584 = arith.mulf %get3A_69, %get3A_583 : vector<16xf32>
      %add3A_585 = arith.addf %add3A_579, %mul3A_584 : vector<16xf32>
      %get3A_586 = arith.constant 4 : i32
      %get3A_587 = arith.index_cast %get3A_586 : i32 to index
      %get3A_588 = arith.constant 224 : index
      %get3A_589 = tpu.vector_load %arg11[%get3A_587, %get3A_588] {strides = array<i32>} : memref<16x256xf32, #tpu.memory_space<vmem>>, vector<16xf32>,
      %mul3A_590 = arith.mulf %get3A_73, %get3A_589 : vector<16xf32>
      %add3A_591 = arith.addf %add3A_585, %mul3A_590 : vector<16xf32>
      %get3A_592 = arith.constant 4 : i32
      %get3A_593 = arith.index_cast %get3A_592 : i32 to index
      %get3A_594 = arith.constant 240 : index
      %get3A_595 = tpu.vector_load %arg11[%get3A_593, %get3A_594] {strides = array<i32>} : memref<16x256xf32, #tpu.memory_space<vmem>>, vector<16xf32>,
      %mul3A_596 = arith.mulf %get3A_77, %get3A_595 : vector<16xf32>
      %add3A_597 = arith.addf %add3A_591, %mul3A_596 : vector<16xf32>
      %reduce_sum3A_598 = arith.constant true
      %reduce_sum3A_599 = vector.broadcast %reduce_sum3A_598 : i1 to vector<16xi1>
      %reduce_sum3A_600 = tpu.scan <sum>, %add3A_597 masked %reduce_sum3A_599 : vector<16xf32>, vector<16xi1> -> vector<16xf32>
      %reduce_sum3A_601 = vector.extract %reduce_sum3A_600[15] : f32 from vector<16xf32>
      %eq3A_602 = arith.constant 4 : i32
      %eq3A_603 = vector.broadcast %eq3A_602 : i32 to vector<16xi32>
      %eq3A_604 = arith.cmpi eq, %iota3A, %eq3A_603 : vector<16xi32>
      %jit3A_605 = arith.constant 0.000000e+00 : f32
      %broadcast_in_dim3A_606 = vector.broadcast %reduce_sum3A_601 : f32 to vector<16xf32>
      %broadcast_in_dim3A_607 = vector.broadcast %jit3A_605 : f32 to vector<16xf32>
      %select_n3A_608 = arith.select %eq3A_604, %broadcast_in_dim3A_606, %broadcast_in_dim3A_607 : vector<16xi1>, vector<16xf32>
      %add3A_609 = arith.addf %add3A_502, %select_n3A_608 : vector<16xf32>
      %get3A_610 = arith.constant 5 : i32
      %get3A_611 = arith.index_cast %get3A_610 : i32 to index
      %get3A_612 = arith.constant 0 : index
      %get3A_613 = tpu.vector_load %arg11[%get3A_611, %get3A_612] {strides = array<i32>} : memref<16x256xf32, #tpu.memory_space<vmem>>, vector<16xf32>,
      %mul3A_614 = arith.mulf %get3A_17, %get3A_613 : vector<16xf32>
      %get3A_615 = arith.constant 5 : i32
      %get3A_616 = arith.index_cast %get3A_615 : i32 to index
      %get3A_617 = arith.constant 16 : index
      %get3A_618 = tpu.vector_load %arg11[%get3A_616, %get3A_617] {strides = array<i32>} : memref<16x256xf32, #tpu.memory_space<vmem>>, vector<16xf32>,
      %mul3A_619 = arith.mulf %get3A_21, %get3A_618 : vector<16xf32>
      %add3A_620 = arith.addf %mul3A_614, %mul3A_619 : vector<16xf32>
      %get3A_621 = arith.constant 5 : i32
      %get3A_622 = arith.index_cast %get3A_621 : i32 to index
      %get3A_623 = arith.constant 32 : index
      %get3A_624 = tpu.vector_load %arg11[%get3A_622, %get3A_623] {strides = array<i32>} : memref<16x256xf32, #tpu.memory_space<vmem>>, vector<16xf32>,
      %mul3A_625 = arith.mulf %get3A_25, %get3A_624 : vector<16xf32>
      %add3A_626 = arith.addf %add3A_620, %mul3A_625 : vector<16xf32>
      %get3A_627 = arith.constant 5 : i32
      %get3A_628 = arith.index_cast %get3A_627 : i32 to index
      %get3A_629 = arith.constant 48 : index
      %get3A_630 = tpu.vector_load %arg11[%get3A_628, %get3A_629] {strides = array<i32>} : memref<16x256xf32, #tpu.memory_space<vmem>>, vector<16xf32>,
      %mul3A_631 = arith.mulf %get3A_29, %get3A_630 : vector<16xf32>
      %add3A_632 = arith.addf %add3A_626, %mul3A_631 : vector<16xf32>
      %get3A_633 = arith.constant 5 : i32
      %get3A_634 = arith.index_cast %get3A_633 : i32 to index
      %get3A_635 = arith.constant 64 : index
      %get3A_636 = tpu.vector_load %arg11[%get3A_634, %get3A_635] {strides = array<i32>} : memref<16x256xf32, #tpu.memory_space<vmem>>, vector<16xf32>,
      %mul3A_637 = arith.mulf %get3A_33, %get3A_636 : vector<16xf32>
      %add3A_638 = arith.addf %add3A_632, %mul3A_637 : vector<16xf32>
      %get3A_639 = arith.constant 5 : i32
      %get3A_640 = arith.index_cast %get3A_639 : i32 to index
      %get3A_641 = arith.constant 80 : index
      %get3A_642 = tpu.vector_load %arg11[%get3A_640, %get3A_641] {strides = array<i32>} : memref<16x256xf32, #tpu.memory_space<vmem>>, vector<16xf32>,
      %mul3A_643 = arith.mulf %get3A_37, %get3A_642 : vector<16xf32>
      %add3A_644 = arith.addf %add3A_638, %mul3A_643 : vector<16xf32>
      %get3A_645 = arith.constant 5 : i32
      %get3A_646 = arith.index_cast %get3A_645 : i32 to index
      %get3A_647 = arith.constant 96 : index
      %get3A_648 = tpu.vector_load %arg11[%get3A_646, %get3A_647] {strides = array<i32>} : memref<16x256xf32, #tpu.memory_space<vmem>>, vector<16xf32>,
      %mul3A_649 = arith.mulf %get3A_41, %get3A_648 : vector<16xf32>
      %add3A_650 = arith.addf %add3A_644, %mul3A_649 : vector<16xf32>
      %get3A_651 = arith.constant 5 : i32
      %get3A_652 = arith.index_cast %get3A_651 : i32 to index
      %get3A_653 = arith.constant 112 : index
      %get3A_654 = tpu.vector_load %arg11[%get3A_652, %get3A_653] {strides = array<i32>} : memref<16x256xf32, #tpu.memory_space<vmem>>, vector<16xf32>,
      %mul3A_655 = arith.mulf %get3A_45, %get3A_654 : vector<16xf32>
      %add3A_656 = arith.addf %add3A_650, %mul3A_655 : vector<16xf32>
      %get3A_657 = arith.constant 5 : i32
      %get3A_658 = arith.index_cast %get3A_657 : i32 to index
      %get3A_659 = arith.constant 128 : index
      %get3A_660 = tpu.vector_load %arg11[%get3A_658, %get3A_659] {strides = array<i32>} : memref<16x256xf32, #tpu.memory_space<vmem>>, vector<16xf32>,
      %mul3A_661 = arith.mulf %get3A_49, %get3A_660 : vector<16xf32>
      %add3A_662 = arith.addf %add3A_656, %mul3A_661 : vector<16xf32>
      %get3A_663 = arith.constant 5 : i32
      %get3A_664 = arith.index_cast %get3A_663 : i32 to index
      %get3A_665 = arith.constant 144 : index
      %get3A_666 = tpu.vector_load %arg11[%get3A_664, %get3A_665] {strides = array<i32>} : memref<16x256xf32, #tpu.memory_space<vmem>>, vector<16xf32>,
      %mul3A_667 = arith.mulf %get3A_53, %get3A_666 : vector<16xf32>
      %add3A_668 = arith.addf %add3A_662, %mul3A_667 : vector<16xf32>
      %get3A_669 = arith.constant 5 : i32
      %get3A_670 = arith.index_cast %get3A_669 : i32 to index
      %get3A_671 = arith.constant 160 : index
      %get3A_672 = tpu.vector_load %arg11[%get3A_670, %get3A_671] {strides = array<i32>} : memref<16x256xf32, #tpu.memory_space<vmem>>, vector<16xf32>,
      %mul3A_673 = arith.mulf %get3A_57, %get3A_672 : vector<16xf32>
      %add3A_674 = arith.addf %add3A_668, %mul3A_673 : vector<16xf32>
      %get3A_675 = arith.constant 5 : i32
      %get3A_676 = arith.index_cast %get3A_675 : i32 to index
      %get3A_677 = arith.constant 176 : index
      %get3A_678 = tpu.vector_load %arg11[%get3A_676, %get3A_677] {strides = array<i32>} : memref<16x256xf32, #tpu.memory_space<vmem>>, vector<16xf32>,
      %mul3A_679 = arith.mulf %get3A_61, %get3A_678 : vector<16xf32>
      %add3A_680 = arith.addf %add3A_674, %mul3A_679 : vector<16xf32>
      %get3A_681 = arith.constant 5 : i32
      %get3A_682 = arith.index_cast %get3A_681 : i32 to index
      %get3A_683 = arith.constant 192 : index
      %get3A_684 = tpu.vector_load %arg11[%get3A_682, %get3A_683] {strides = array<i32>} : memref<16x256xf32, #tpu.memory_space<vmem>>, vector<16xf32>,
      %mul3A_685 = arith.mulf %get3A_65, %get3A_684 : vector<16xf32>
      %add3A_686 = arith.addf %add3A_680, %mul3A_685 : vector<16xf32>
      %get3A_687 = arith.constant 5 : i32
      %get3A_688 = arith.index_cast %get3A_687 : i32 to index
      %get3A_689 = arith.constant 208 : index
      %get3A_690 = tpu.vector_load %arg11[%get3A_688, %get3A_689] {strides = array<i32>} : memref<16x256xf32, #tpu.memory_space<vmem>>, vector<16xf32>,
      %mul3A_691 = arith.mulf %get3A_69, %get3A_690 : vector<16xf32>
      %add3A_692 = arith.addf %add3A_686, %mul3A_691 : vector<16xf32>
      %get3A_693 = arith.constant 5 : i32
      %get3A_694 = arith.index_cast %get3A_693 : i32 to index
      %get3A_695 = arith.constant 224 : index
      %get3A_696 = tpu.vector_load %arg11[%get3A_694, %get3A_695] {strides = array<i32>} : memref<16x256xf32, #tpu.memory_space<vmem>>, vector<16xf32>,
      %mul3A_697 = arith.mulf %get3A_73, %get3A_696 : vector<16xf32>
      %add3A_698 = arith.addf %add3A_692, %mul3A_697 : vector<16xf32>
      %get3A_699 = arith.constant 5 : i32
      %get3A_700 = arith.index_cast %get3A_699 : i32 to index
      %get3A_701 = arith.constant 240 : index
      %get3A_702 = tpu.vector_load %arg11[%get3A_700, %get3A_701] {strides = array<i32>} : memref<16x256xf32, #tpu.memory_space<vmem>>, vector<16xf32>,
      %mul3A_703 = arith.mulf %get3A_77, %get3A_702 : vector<16xf32>
      %add3A_704 = arith.addf %add3A_698, %mul3A_703 : vector<16xf32>
      %reduce_sum3A_705 = arith.constant true
      %reduce_sum3A_706 = vector.broadcast %reduce_sum3A_705 : i1 to vector<16xi1>
      %reduce_sum3A_707 = tpu.scan <sum>, %add3A_704 masked %reduce_sum3A_706 : vector<16xf32>, vector<16xi1> -> vector<16xf32>
      %reduce_sum3A_708 = vector.extract %reduce_sum3A_707[15] : f32 from vector<16xf32>
      %eq3A_709 = arith.constant 5 : i32
      %eq3A_710 = vector.broadcast %eq3A_709 : i32 to vector<16xi32>
      %eq3A_711 = arith.cmpi eq, %iota3A, %eq3A_710 : vector<16xi32>
      %jit3A_712 = arith.constant 0.000000e+00 : f32
      %broadcast_in_dim3A_713 = vector.broadcast %reduce_sum3A_708 : f32 to vector<16xf32>
      %broadcast_in_dim3A_714 = vector.broadcast %jit3A_712 : f32 to vector<16xf32>
      %select_n3A_715 = arith.select %eq3A_711, %broadcast_in_dim3A_713, %broadcast_in_dim3A_714 : vector<16xi1>, vector<16xf32>
      %add3A_716 = arith.addf %add3A_609, %select_n3A_715 : vector<16xf32>
      %get3A_717 = arith.constant 6 : i32
      %get3A_718 = arith.index_cast %get3A_717 : i32 to index
      %get3A_719 = arith.constant 0 : index
      %get3A_720 = tpu.vector_load %arg11[%get3A_718, %get3A_719] {strides = array<i32>} : memref<16x256xf32, #tpu.memory_space<vmem>>, vector<16xf32>,
      %mul3A_721 = arith.mulf %get3A_17, %get3A_720 : vector<16xf32>
      %get3A_722 = arith.constant 6 : i32
      %get3A_723 = arith.index_cast %get3A_722 : i32 to index
      %get3A_724 = arith.constant 16 : index
      %get3A_725 = tpu.vector_load %arg11[%get3A_723, %get3A_724] {strides = array<i32>} : memref<16x256xf32, #tpu.memory_space<vmem>>, vector<16xf32>,
      %mul3A_726 = arith.mulf %get3A_21, %get3A_725 : vector<16xf32>
      %add3A_727 = arith.addf %mul3A_721, %mul3A_726 : vector<16xf32>
      %get3A_728 = arith.constant 6 : i32
      %get3A_729 = arith.index_cast %get3A_728 : i32 to index
      %get3A_730 = arith.constant 32 : index
      %get3A_731 = tpu.vector_load %arg11[%get3A_729, %get3A_730] {strides = array<i32>} : memref<16x256xf32, #tpu.memory_space<vmem>>, vector<16xf32>,
      %mul3A_732 = arith.mulf %get3A_25, %get3A_731 : vector<16xf32>
      %add3A_733 = arith.addf %add3A_727, %mul3A_732 : vector<16xf32>
      %get3A_734 = arith.constant 6 : i32
      %get3A_735 = arith.index_cast %get3A_734 : i32 to index
      %get3A_736 = arith.constant 48 : index
      %get3A_737 = tpu.vector_load %arg11[%get3A_735, %get3A_736] {strides = array<i32>} : memref<16x256xf32, #tpu.memory_space<vmem>>, vector<16xf32>,
      %mul3A_738 = arith.mulf %get3A_29, %get3A_737 : vector<16xf32>
      %add3A_739 = arith.addf %add3A_733, %mul3A_738 : vector<16xf32>
      %get3A_740 = arith.constant 6 : i32
      %get3A_741 = arith.index_cast %get3A_740 : i32 to index
      %get3A_742 = arith.constant 64 : index
      %get3A_743 = tpu.vector_load %arg11[%get3A_741, %get3A_742] {strides = array<i32>} : memref<16x256xf32, #tpu.memory_space<vmem>>, vector<16xf32>,
      %mul3A_744 = arith.mulf %get3A_33, %get3A_743 : vector<16xf32>
      %add3A_745 = arith.addf %add3A_739, %mul3A_744 : vector<16xf32>
      %get3A_746 = arith.constant 6 : i32
      %get3A_747 = arith.index_cast %get3A_746 : i32 to index
      %get3A_748 = arith.constant 80 : index
      %get3A_749 = tpu.vector_load %arg11[%get3A_747, %get3A_748] {strides = array<i32>} : memref<16x256xf32, #tpu.memory_space<vmem>>, vector<16xf32>,
      %mul3A_750 = arith.mulf %get3A_37, %get3A_749 : vector<16xf32>
      %add3A_751 = arith.addf %add3A_745, %mul3A_750 : vector<16xf32>
      %get3A_752 = arith.constant 6 : i32
      %get3A_753 = arith.index_cast %get3A_752 : i32 to index
      %get3A_754 = arith.constant 96 : index
      %get3A_755 = tpu.vector_load %arg11[%get3A_753, %get3A_754] {strides = array<i32>} : memref<16x256xf32, #tpu.memory_space<vmem>>, vector<16xf32>,
      %mul3A_756 = arith.mulf %get3A_41, %get3A_755 : vector<16xf32>
      %add3A_757 = arith.addf %add3A_751, %mul3A_756 : vector<16xf32>
      %get3A_758 = arith.constant 6 : i32
      %get3A_759 = arith.index_cast %get3A_758 : i32 to index
      %get3A_760 = arith.constant 112 : index
      %get3A_761 = tpu.vector_load %arg11[%get3A_759, %get3A_760] {strides = array<i32>} : memref<16x256xf32, #tpu.memory_space<vmem>>, vector<16xf32>,
      %mul3A_762 = arith.mulf %get3A_45, %get3A_761 : vector<16xf32>
      %add3A_763 = arith.addf %add3A_757, %mul3A_762 : vector<16xf32>
      %get3A_764 = arith.constant 6 : i32
      %get3A_765 = arith.index_cast %get3A_764 : i32 to index
      %get3A_766 = arith.constant 128 : index
      %get3A_767 = tpu.vector_load %arg11[%get3A_765, %get3A_766] {strides = array<i32>} : memref<16x256xf32, #tpu.memory_space<vmem>>, vector<16xf32>,
      %mul3A_768 = arith.mulf %get3A_49, %get3A_767 : vector<16xf32>
      %add3A_769 = arith.addf %add3A_763, %mul3A_768 : vector<16xf32>
      %get3A_770 = arith.constant 6 : i32
      %get3A_771 = arith.index_cast %get3A_770 : i32 to index
      %get3A_772 = arith.constant 144 : index
      %get3A_773 = tpu.vector_load %arg11[%get3A_771, %get3A_772] {strides = array<i32>} : memref<16x256xf32, #tpu.memory_space<vmem>>, vector<16xf32>,
      %mul3A_774 = arith.mulf %get3A_53, %get3A_773 : vector<16xf32>
      %add3A_775 = arith.addf %add3A_769, %mul3A_774 : vector<16xf32>
      %get3A_776 = arith.constant 6 : i32
      %get3A_777 = arith.index_cast %get3A_776 : i32 to index
      %get3A_778 = arith.constant 160 : index
      %get3A_779 = tpu.vector_load %arg11[%get3A_777, %get3A_778] {strides = array<i32>} : memref<16x256xf32, #tpu.memory_space<vmem>>, vector<16xf32>,
      %mul3A_780 = arith.mulf %get3A_57, %get3A_779 : vector<16xf32>
      %add3A_781 = arith.addf %add3A_775, %mul3A_780 : vector<16xf32>
      %get3A_782 = arith.constant 6 : i32
      %get3A_783 = arith.index_cast %get3A_782 : i32 to index
      %get3A_784 = arith.constant 176 : index
      %get3A_785 = tpu.vector_load %arg11[%get3A_783, %get3A_784] {strides = array<i32>} : memref<16x256xf32, #tpu.memory_space<vmem>>, vector<16xf32>,
      %mul3A_786 = arith.mulf %get3A_61, %get3A_785 : vector<16xf32>
      %add3A_787 = arith.addf %add3A_781, %mul3A_786 : vector<16xf32>
      %get3A_788 = arith.constant 6 : i32
      %get3A_789 = arith.index_cast %get3A_788 : i32 to index
      %get3A_790 = arith.constant 192 : index
      %get3A_791 = tpu.vector_load %arg11[%get3A_789, %get3A_790] {strides = array<i32>} : memref<16x256xf32, #tpu.memory_space<vmem>>, vector<16xf32>,
      %mul3A_792 = arith.mulf %get3A_65, %get3A_791 : vector<16xf32>
      %add3A_793 = arith.addf %add3A_787, %mul3A_792 : vector<16xf32>
      %get3A_794 = arith.constant 6 : i32
      %get3A_795 = arith.index_cast %get3A_794 : i32 to index
      %get3A_796 = arith.constant 208 : index
      %get3A_797 = tpu.vector_load %arg11[%get3A_795, %get3A_796] {strides = array<i32>} : memref<16x256xf32, #tpu.memory_space<vmem>>, vector<16xf32>,
      %mul3A_798 = arith.mulf %get3A_69, %get3A_797 : vector<16xf32>
      %add3A_799 = arith.addf %add3A_793, %mul3A_798 : vector<16xf32>
      %get3A_800 = arith.constant 6 : i32
      %get3A_801 = arith.index_cast %get3A_800 : i32 to index
      %get3A_802 = arith.constant 224 : index
      %get3A_803 = tpu.vector_load %arg11[%get3A_801, %get3A_802] {strides = array<i32>} : memref<16x256xf32, #tpu.memory_space<vmem>>, vector<16xf32>,
      %mul3A_804 = arith.mulf %get3A_73, %get3A_803 : vector<16xf32>
      %add3A_805 = arith.addf %add3A_799, %mul3A_804 : vector<16xf32>
      %get3A_806 = arith.constant 6 : i32
      %get3A_807 = arith.index_cast %get3A_806 : i32 to index
      %get3A_808 = arith.constant 240 : index
      %get3A_809 = tpu.vector_load %arg11[%get3A_807, %get3A_808] {strides = array<i32>} : memref<16x256xf32, #tpu.memory_space<vmem>>, vector<16xf32>,
      %mul3A_810 = arith.mulf %get3A_77, %get3A_809 : vector<16xf32>
      %add3A_811 = arith.addf %add3A_805, %mul3A_810 : vector<16xf32>
      %reduce_sum3A_812 = arith.constant true
      %reduce_sum3A_813 = vector.broadcast %reduce_sum3A_812 : i1 to vector<16xi1>
      %reduce_sum3A_814 = tpu.scan <sum>, %add3A_811 masked %reduce_sum3A_813 : vector<16xf32>, vector<16xi1> -> vector<16xf32>
      %reduce_sum3A_815 = vector.extract %reduce_sum3A_814[15] : f32 from vector<16xf32>
      %eq3A_816 = arith.constant 6 : i32
      %eq3A_817 = vector.broadcast %eq3A_816 : i32 to vector<16xi32>
      %eq3A_818 = arith.cmpi eq, %iota3A, %eq3A_817 : vector<16xi32>
      %jit3A_819 = arith.constant 0.000000e+00 : f32
      %broadcast_in_dim3A_820 = vector.broadcast %reduce_sum3A_815 : f32 to vector<16xf32>
      %broadcast_in_dim3A_821 = vector.broadcast %jit3A_819 : f32 to vector<16xf32>
      %select_n3A_822 = arith.select %eq3A_818, %broadcast_in_dim3A_820, %broadcast_in_dim3A_821 : vector<16xi1>, vector<16xf32>
      %add3A_823 = arith.addf %add3A_716, %select_n3A_822 : vector<16xf32>
      %get3A_824 = arith.constant 7 : i32
      %get3A_825 = arith.index_cast %get3A_824 : i32 to index
      %get3A_826 = arith.constant 0 : index
      %get3A_827 = tpu.vector_load %arg11[%get3A_825, %get3A_826] {strides = array<i32>} : memref<16x256xf32, #tpu.memory_space<vmem>>, vector<16xf32>,
      %mul3A_828 = arith.mulf %get3A_17, %get3A_827 : vector<16xf32>
      %get3A_829 = arith.constant 7 : i32
      %get3A_830 = arith.index_cast %get3A_829 : i32 to index
      %get3A_831 = arith.constant 16 : index
      %get3A_832 = tpu.vector_load %arg11[%get3A_830, %get3A_831] {strides = array<i32>} : memref<16x256xf32, #tpu.memory_space<vmem>>, vector<16xf32>,
      %mul3A_833 = arith.mulf %get3A_21, %get3A_832 : vector<16xf32>
      %add3A_834 = arith.addf %mul3A_828, %mul3A_833 : vector<16xf32>
      %get3A_835 = arith.constant 7 : i32
      %get3A_836 = arith.index_cast %get3A_835 : i32 to index
      %get3A_837 = arith.constant 32 : index
      %get3A_838 = tpu.vector_load %arg11[%get3A_836, %get3A_837] {strides = array<i32>} : memref<16x256xf32, #tpu.memory_space<vmem>>, vector<16xf32>,
      %mul3A_839 = arith.mulf %get3A_25, %get3A_838 : vector<16xf32>
      %add3A_840 = arith.addf %add3A_834, %mul3A_839 : vector<16xf32>
      %get3A_841 = arith.constant 7 : i32
      %get3A_842 = arith.index_cast %get3A_841 : i32 to index
      %get3A_843 = arith.constant 48 : index
      %get3A_844 = tpu.vector_load %arg11[%get3A_842, %get3A_843] {strides = array<i32>} : memref<16x256xf32, #tpu.memory_space<vmem>>, vector<16xf32>,
      %mul3A_845 = arith.mulf %get3A_29, %get3A_844 : vector<16xf32>
      %add3A_846 = arith.addf %add3A_840, %mul3A_845 : vector<16xf32>
      %get3A_847 = arith.constant 7 : i32
      %get3A_848 = arith.index_cast %get3A_847 : i32 to index
      %get3A_849 = arith.constant 64 : index
      %get3A_850 = tpu.vector_load %arg11[%get3A_848, %get3A_849] {strides = array<i32>} : memref<16x256xf32, #tpu.memory_space<vmem>>, vector<16xf32>,
      %mul3A_851 = arith.mulf %get3A_33, %get3A_850 : vector<16xf32>
      %add3A_852 = arith.addf %add3A_846, %mul3A_851 : vector<16xf32>
      %get3A_853 = arith.constant 7 : i32
      %get3A_854 = arith.index_cast %get3A_853 : i32 to index
      %get3A_855 = arith.constant 80 : index
      %get3A_856 = tpu.vector_load %arg11[%get3A_854, %get3A_855] {strides = array<i32>} : memref<16x256xf32, #tpu.memory_space<vmem>>, vector<16xf32>,
      %mul3A_857 = arith.mulf %get3A_37, %get3A_856 : vector<16xf32>
      %add3A_858 = arith.addf %add3A_852, %mul3A_857 : vector<16xf32>
      %get3A_859 = arith.constant 7 : i32
      %get3A_860 = arith.index_cast %get3A_859 : i32 to index
      %get3A_861 = arith.constant 96 : index
      %get3A_862 = tpu.vector_load %arg11[%get3A_860, %get3A_861] {strides = array<i32>} : memref<16x256xf32, #tpu.memory_space<vmem>>, vector<16xf32>,
      %mul3A_863 = arith.mulf %get3A_41, %get3A_862 : vector<16xf32>
      %add3A_864 = arith.addf %add3A_858, %mul3A_863 : vector<16xf32>
      %get3A_865 = arith.constant 7 : i32
      %get3A_866 = arith.index_cast %get3A_865 : i32 to index
      %get3A_867 = arith.constant 112 : index
      %get3A_868 = tpu.vector_load %arg11[%get3A_866, %get3A_867] {strides = array<i32>} : memref<16x256xf32, #tpu.memory_space<vmem>>, vector<16xf32>,
      %mul3A_869 = arith.mulf %get3A_45, %get3A_868 : vector<16xf32>
      %add3A_870 = arith.addf %add3A_864, %mul3A_869 : vector<16xf32>
      %get3A_871 = arith.constant 7 : i32
      %get3A_872 = arith.index_cast %get3A_871 : i32 to index
      %get3A_873 = arith.constant 128 : index
      %get3A_874 = tpu.vector_load %arg11[%get3A_872, %get3A_873] {strides = array<i32>} : memref<16x256xf32, #tpu.memory_space<vmem>>, vector<16xf32>,
      %mul3A_875 = arith.mulf %get3A_49, %get3A_874 : vector<16xf32>
      %add3A_876 = arith.addf %add3A_870, %mul3A_875 : vector<16xf32>
      %get3A_877 = arith.constant 7 : i32
      %get3A_878 = arith.index_cast %get3A_877 : i32 to index
      %get3A_879 = arith.constant 144 : index
      %get3A_880 = tpu.vector_load %arg11[%get3A_878, %get3A_879] {strides = array<i32>} : memref<16x256xf32, #tpu.memory_space<vmem>>, vector<16xf32>,
      %mul3A_881 = arith.mulf %get3A_53, %get3A_880 : vector<16xf32>
      %add3A_882 = arith.addf %add3A_876, %mul3A_881 : vector<16xf32>
      %get3A_883 = arith.constant 7 : i32
      %get3A_884 = arith.index_cast %get3A_883 : i32 to index
      %get3A_885 = arith.constant 160 : index
      %get3A_886 = tpu.vector_load %arg11[%get3A_884, %get3A_885] {strides = array<i32>} : memref<16x256xf32, #tpu.memory_space<vmem>>, vector<16xf32>,
      %mul3A_887 = arith.mulf %get3A_57, %get3A_886 : vector<16xf32>
      %add3A_888 = arith.addf %add3A_882, %mul3A_887 : vector<16xf32>
      %get3A_889 = arith.constant 7 : i32
      %get3A_890 = arith.index_cast %get3A_889 : i32 to index
      %get3A_891 = arith.constant 176 : index
      %get3A_892 = tpu.vector_load %arg11[%get3A_890, %get3A_891] {strides = array<i32>} : memref<16x256xf32, #tpu.memory_space<vmem>>, vector<16xf32>,
      %mul3A_893 = arith.mulf %get3A_61, %get3A_892 : vector<16xf32>
      %add3A_894 = arith.addf %add3A_888, %mul3A_893 : vector<16xf32>
      %get3A_895 = arith.constant 7 : i32
      %get3A_896 = arith.index_cast %get3A_895 : i32 to index
      %get3A_897 = arith.constant 192 : index
      %get3A_898 = tpu.vector_load %arg11[%get3A_896, %get3A_897] {strides = array<i32>} : memref<16x256xf32, #tpu.memory_space<vmem>>, vector<16xf32>,
      %mul3A_899 = arith.mulf %get3A_65, %get3A_898 : vector<16xf32>
      %add3A_900 = arith.addf %add3A_894, %mul3A_899 : vector<16xf32>
      %get3A_901 = arith.constant 7 : i32
      %get3A_902 = arith.index_cast %get3A_901 : i32 to index
      %get3A_903 = arith.constant 208 : index
      %get3A_904 = tpu.vector_load %arg11[%get3A_902, %get3A_903] {strides = array<i32>} : memref<16x256xf32, #tpu.memory_space<vmem>>, vector<16xf32>,
      %mul3A_905 = arith.mulf %get3A_69, %get3A_904 : vector<16xf32>
      %add3A_906 = arith.addf %add3A_900, %mul3A_905 : vector<16xf32>
      %get3A_907 = arith.constant 7 : i32
      %get3A_908 = arith.index_cast %get3A_907 : i32 to index
      %get3A_909 = arith.constant 224 : index
      %get3A_910 = tpu.vector_load %arg11[%get3A_908, %get3A_909] {strides = array<i32>} : memref<16x256xf32, #tpu.memory_space<vmem>>, vector<16xf32>,
      %mul3A_911 = arith.mulf %get3A_73, %get3A_910 : vector<16xf32>
      %add3A_912 = arith.addf %add3A_906, %mul3A_911 : vector<16xf32>
      %get3A_913 = arith.constant 7 : i32
      %get3A_914 = arith.index_cast %get3A_913 : i32 to index
      %get3A_915 = arith.constant 240 : index
      %get3A_916 = tpu.vector_load %arg11[%get3A_914, %get3A_915] {strides = array<i32>} : memref<16x256xf32, #tpu.memory_space<vmem>>, vector<16xf32>,
      %mul3A_917 = arith.mulf %get3A_77, %get3A_916 : vector<16xf32>
      %add3A_918 = arith.addf %add3A_912, %mul3A_917 : vector<16xf32>
      %reduce_sum3A_919 = arith.constant true
      %reduce_sum3A_920 = vector.broadcast %reduce_sum3A_919 : i1 to vector<16xi1>
      %reduce_sum3A_921 = tpu.scan <sum>, %add3A_918 masked %reduce_sum3A_920 : vector<16xf32>, vector<16xi1> -> vector<16xf32>
      %reduce_sum3A_922 = vector.extract %reduce_sum3A_921[15] : f32 from vector<16xf32>
      %eq3A_923 = arith.constant 7 : i32
      %eq3A_924 = vector.broadcast %eq3A_923 : i32 to vector<16xi32>
      %eq3A_925 = arith.cmpi eq, %iota3A, %eq3A_924 : vector<16xi32>
      %jit3A_926 = arith.constant 0.000000e+00 : f32
      %broadcast_in_dim3A_927 = vector.broadcast %reduce_sum3A_922 : f32 to vector<16xf32>
      %broadcast_in_dim3A_928 = vector.broadcast %jit3A_926 : f32 to vector<16xf32>
      %select_n3A_929 = arith.select %eq3A_925, %broadcast_in_dim3A_927, %broadcast_in_dim3A_928 : vector<16xi1>, vector<16xf32>
      %add3A_930 = arith.addf %add3A_823, %select_n3A_929 : vector<16xf32>
      %get3A_931 = arith.constant 8 : i32
      %get3A_932 = arith.index_cast %get3A_931 : i32 to index
      %get3A_933 = arith.constant 0 : index
      %get3A_934 = tpu.vector_load %arg11[%get3A_932, %get3A_933] {strides = array<i32>} : memref<16x256xf32, #tpu.memory_space<vmem>>, vector<16xf32>,
      %mul3A_935 = arith.mulf %get3A_17, %get3A_934 : vector<16xf32>
      %get3A_936 = arith.constant 8 : i32
      %get3A_937 = arith.index_cast %get3A_936 : i32 to index
      %get3A_938 = arith.constant 16 : index
      %get3A_939 = tpu.vector_load %arg11[%get3A_937, %get3A_938] {strides = array<i32>} : memref<16x256xf32, #tpu.memory_space<vmem>>, vector<16xf32>,
      %mul3A_940 = arith.mulf %get3A_21, %get3A_939 : vector<16xf32>
      %add3A_941 = arith.addf %mul3A_935, %mul3A_940 : vector<16xf32>
      %get3A_942 = arith.constant 8 : i32
      %get3A_943 = arith.index_cast %get3A_942 : i32 to index
      %get3A_944 = arith.constant 32 : index
      %get3A_945 = tpu.vector_load %arg11[%get3A_943, %get3A_944] {strides = array<i32>} : memref<16x256xf32, #tpu.memory_space<vmem>>, vector<16xf32>,
      %mul3A_946 = arith.mulf %get3A_25, %get3A_945 : vector<16xf32>
      %add3A_947 = arith.addf %add3A_941, %mul3A_946 : vector<16xf32>
      %get3A_948 = arith.constant 8 : i32
      %get3A_949 = arith.index_cast %get3A_948 : i32 to index
      %get3A_950 = arith.constant 48 : index
      %get3A_951 = tpu.vector_load %arg11[%get3A_949, %get3A_950] {strides = array<i32>} : memref<16x256xf32, #tpu.memory_space<vmem>>, vector<16xf32>,
      %mul3A_952 = arith.mulf %get3A_29, %get3A_951 : vector<16xf32>
      %add3A_953 = arith.addf %add3A_947, %mul3A_952 : vector<16xf32>
      %get3A_954 = arith.constant 8 : i32
      %get3A_955 = arith.index_cast %get3A_954 : i32 to index
      %get3A_956 = arith.constant 64 : index
      %get3A_957 = tpu.vector_load %arg11[%get3A_955, %get3A_956] {strides = array<i32>} : memref<16x256xf32, #tpu.memory_space<vmem>>, vector<16xf32>,
      %mul3A_958 = arith.mulf %get3A_33, %get3A_957 : vector<16xf32>
      %add3A_959 = arith.addf %add3A_953, %mul3A_958 : vector<16xf32>
      %get3A_960 = arith.constant 8 : i32
      %get3A_961 = arith.index_cast %get3A_960 : i32 to index
      %get3A_962 = arith.constant 80 : index
      %get3A_963 = tpu.vector_load %arg11[%get3A_961, %get3A_962] {strides = array<i32>} : memref<16x256xf32, #tpu.memory_space<vmem>>, vector<16xf32>,
      %mul3A_964 = arith.mulf %get3A_37, %get3A_963 : vector<16xf32>
      %add3A_965 = arith.addf %add3A_959, %mul3A_964 : vector<16xf32>
      %get3A_966 = arith.constant 8 : i32
      %get3A_967 = arith.index_cast %get3A_966 : i32 to index
      %get3A_968 = arith.constant 96 : index
      %get3A_969 = tpu.vector_load %arg11[%get3A_967, %get3A_968] {strides = array<i32>} : memref<16x256xf32, #tpu.memory_space<vmem>>, vector<16xf32>,
      %mul3A_970 = arith.mulf %get3A_41, %get3A_969 : vector<16xf32>
      %add3A_971 = arith.addf %add3A_965, %mul3A_970 : vector<16xf32>
      %get3A_972 = arith.constant 8 : i32
      %get3A_973 = arith.index_cast %get3A_972 : i32 to index
      %get3A_974 = arith.constant 112 : index
      %get3A_975 = tpu.vector_load %arg11[%get3A_973, %get3A_974] {strides = array<i32>} : memref<16x256xf32, #tpu.memory_space<vmem>>, vector<16xf32>,
      %mul3A_976 = arith.mulf %get3A_45, %get3A_975 : vector<16xf32>
      %add3A_977 = arith.addf %add3A_971, %mul3A_976 : vector<16xf32>
      %get3A_978 = arith.constant 8 : i32
      %get3A_979 = arith.index_cast %get3A_978 : i32 to index
      %get3A_980 = arith.constant 128 : index
      %get3A_981 = tpu.vector_load %arg11[%get3A_979, %get3A_980] {strides = array<i32>} : memref<16x256xf32, #tpu.memory_space<vmem>>, vector<16xf32>,
      %mul3A_982 = arith.mulf %get3A_49, %get3A_981 : vector<16xf32>
      %add3A_983 = arith.addf %add3A_977, %mul3A_982 : vector<16xf32>
      %get3A_984 = arith.constant 8 : i32
      %get3A_985 = arith.index_cast %get3A_984 : i32 to index
      %get3A_986 = arith.constant 144 : index
      %get3A_987 = tpu.vector_load %arg11[%get3A_985, %get3A_986] {strides = array<i32>} : memref<16x256xf32, #tpu.memory_space<vmem>>, vector<16xf32>,
      %mul3A_988 = arith.mulf %get3A_53, %get3A_987 : vector<16xf32>
      %add3A_989 = arith.addf %add3A_983, %mul3A_988 : vector<16xf32>
      %get3A_990 = arith.constant 8 : i32
      %get3A_991 = arith.index_cast %get3A_990 : i32 to index
      %get3A_992 = arith.constant 160 : index
      %get3A_993 = tpu.vector_load %arg11[%get3A_991, %get3A_992] {strides = array<i32>} : memref<16x256xf32, #tpu.memory_space<vmem>>, vector<16xf32>,
      %mul3A_994 = arith.mulf %get3A_57, %get3A_993 : vector<16xf32>
      %add3A_995 = arith.addf %add3A_989, %mul3A_994 : vector<16xf32>
      %get3A_996 = arith.constant 8 : i32
      %get3A_997 = arith.index_cast %get3A_996 : i32 to index
      %get3A_998 = arith.constant 176 : index
      %get3A_999 = tpu.vector_load %arg11[%get3A_997, %get3A_998] {strides = array<i32>} : memref<16x256xf32, #tpu.memory_space<vmem>>, vector<16xf32>,
      %mul3A_1000 = arith.mulf %get3A_61, %get3A_999 : vector<16xf32>
      %add3A_1001 = arith.addf %add3A_995, %mul3A_1000 : vector<16xf32>
      %get3A_1002 = arith.constant 8 : i32
      %get3A_1003 = arith.index_cast %get3A_1002 : i32 to index
      %get3A_1004 = arith.constant 192 : index
      %get3A_1005 = tpu.vector_load %arg11[%get3A_1003, %get3A_1004] {strides = array<i32>} : memref<16x256xf32, #tpu.memory_space<vmem>>, vector<16xf32>,
      %mul3A_1006 = arith.mulf %get3A_65, %get3A_1005 : vector<16xf32>
      %add3A_1007 = arith.addf %add3A_1001, %mul3A_1006 : vector<16xf32>
      %get3A_1008 = arith.constant 8 : i32
      %get3A_1009 = arith.index_cast %get3A_1008 : i32 to index
      %get3A_1010 = arith.constant 208 : index
      %get3A_1011 = tpu.vector_load %arg11[%get3A_1009, %get3A_1010] {strides = array<i32>} : memref<16x256xf32, #tpu.memory_space<vmem>>, vector<16xf32>,
      %mul3A_1012 = arith.mulf %get3A_69, %get3A_1011 : vector<16xf32>
      %add3A_1013 = arith.addf %add3A_1007, %mul3A_1012 : vector<16xf32>
      %get3A_1014 = arith.constant 8 : i32
      %get3A_1015 = arith.index_cast %get3A_1014 : i32 to index
      %get3A_1016 = arith.constant 224 : index
      %get3A_1017 = tpu.vector_load %arg11[%get3A_1015, %get3A_1016] {strides = array<i32>} : memref<16x256xf32, #tpu.memory_space<vmem>>, vector<16xf32>,
      %mul3A_1018 = arith.mulf %get3A_73, %get3A_1017 : vector<16xf32>
      %add3A_1019 = arith.addf %add3A_1013, %mul3A_1018 : vector<16xf32>
      %get3A_1020 = arith.constant 8 : i32
      %get3A_1021 = arith.index_cast %get3A_1020 : i32 to index
      %get3A_1022 = arith.constant 240 : index
      %get3A_1023 = tpu.vector_load %arg11[%get3A_1021, %get3A_1022] {strides = array<i32>} : memref<16x256xf32, #tpu.memory_space<vmem>>, vector<16xf32>,
      %mul3A_1024 = arith.mulf %get3A_77, %get3A_1023 : vector<16xf32>
      %add3A_1025 = arith.addf %add3A_1019, %mul3A_1024 : vector<16xf32>
      %reduce_sum3A_1026 = arith.constant true
      %reduce_sum3A_1027 = vector.broadcast %reduce_sum3A_1026 : i1 to vector<16xi1>
      %reduce_sum3A_1028 = tpu.scan <sum>, %add3A_1025 masked %reduce_sum3A_1027 : vector<16xf32>, vector<16xi1> -> vector<16xf32>
      %reduce_sum3A_1029 = vector.extract %reduce_sum3A_1028[15] : f32 from vector<16xf32>
      %eq3A_1030 = arith.constant 8 : i32
      %eq3A_1031 = vector.broadcast %eq3A_1030 : i32 to vector<16xi32>
      %eq3A_1032 = arith.cmpi eq, %iota3A, %eq3A_1031 : vector<16xi32>
      %jit3A_1033 = arith.constant 0.000000e+00 : f32
      %broadcast_in_dim3A_1034 = vector.broadcast %reduce_sum3A_1029 : f32 to vector<16xf32>
      %broadcast_in_dim3A_1035 = vector.broadcast %jit3A_1033 : f32 to vector<16xf32>
      %select_n3A_1036 = arith.select %eq3A_1032, %broadcast_in_dim3A_1034, %broadcast_in_dim3A_1035 : vector<16xi1>, vector<16xf32>
      %add3A_1037 = arith.addf %add3A_930, %select_n3A_1036 : vector<16xf32>
      %get3A_1038 = arith.constant 9 : i32
      %get3A_1039 = arith.index_cast %get3A_1038 : i32 to index
      %get3A_1040 = arith.constant 0 : index
      %get3A_1041 = tpu.vector_load %arg11[%get3A_1039, %get3A_1040] {strides = array<i32>} : memref<16x256xf32, #tpu.memory_space<vmem>>, vector<16xf32>,
      %mul3A_1042 = arith.mulf %get3A_17, %get3A_1041 : vector<16xf32>
      %get3A_1043 = arith.constant 9 : i32
      %get3A_1044 = arith.index_cast %get3A_1043 : i32 to index
      %get3A_1045 = arith.constant 16 : index
      %get3A_1046 = tpu.vector_load %arg11[%get3A_1044, %get3A_1045] {strides = array<i32>} : memref<16x256xf32, #tpu.memory_space<vmem>>, vector<16xf32>,
      %mul3A_1047 = arith.mulf %get3A_21, %get3A_1046 : vector<16xf32>
      %add3A_1048 = arith.addf %mul3A_1042, %mul3A_1047 : vector<16xf32>
      %get3A_1049 = arith.constant 9 : i32
      %get3A_1050 = arith.index_cast %get3A_1049 : i32 to index
      %get3A_1051 = arith.constant 32 : index
      %get3A_1052 = tpu.vector_load %arg11[%get3A_1050, %get3A_1051] {strides = array<i32>} : memref<16x256xf32, #tpu.memory_space<vmem>>, vector<16xf32>,
      %mul3A_1053 = arith.mulf %get3A_25, %get3A_1052 : vector<16xf32>
      %add3A_1054 = arith.addf %add3A_1048, %mul3A_1053 : vector<16xf32>
      %get3A_1055 = arith.constant 9 : i32
      %get3A_1056 = arith.index_cast %get3A_1055 : i32 to index
      %get3A_1057 = arith.constant 48 : index
      %get3A_1058 = tpu.vector_load %arg11[%get3A_1056, %get3A_1057] {strides = array<i32>} : memref<16x256xf32, #tpu.memory_space<vmem>>, vector<16xf32>,
      %mul3A_1059 = arith.mulf %get3A_29, %get3A_1058 : vector<16xf32>
      %add3A_1060 = arith.addf %add3A_1054, %mul3A_1059 : vector<16xf32>
      %get3A_1061 = arith.constant 9 : i32
      %get3A_1062 = arith.index_cast %get3A_1061 : i32 to index
      %get3A_1063 = arith.constant 64 : index
      %get3A_1064 = tpu.vector_load %arg11[%get3A_1062, %get3A_1063] {strides = array<i32>} : memref<16x256xf32, #tpu.memory_space<vmem>>, vector<16xf32>,
      %mul3A_1065 = arith.mulf %get3A_33, %get3A_1064 : vector<16xf32>
      %add3A_1066 = arith.addf %add3A_1060, %mul3A_1065 : vector<16xf32>
      %get3A_1067 = arith.constant 9 : i32
      %get3A_1068 = arith.index_cast %get3A_1067 : i32 to index
      %get3A_1069 = arith.constant 80 : index
      %get3A_1070 = tpu.vector_load %arg11[%get3A_1068, %get3A_1069] {strides = array<i32>} : memref<16x256xf32, #tpu.memory_space<vmem>>, vector<16xf32>,
      %mul3A_1071 = arith.mulf %get3A_37, %get3A_1070 : vector<16xf32>
      %add3A_1072 = arith.addf %add3A_1066, %mul3A_1071 : vector<16xf32>
      %get3A_1073 = arith.constant 9 : i32
      %get3A_1074 = arith.index_cast %get3A_1073 : i32 to index
      %get3A_1075 = arith.constant 96 : index
      %get3A_1076 = tpu.vector_load %arg11[%get3A_1074, %get3A_1075] {strides = array<i32>} : memref<16x256xf32, #tpu.memory_space<vmem>>, vector<16xf32>,
      %mul3A_1077 = arith.mulf %get3A_41, %get3A_1076 : vector<16xf32>
      %add3A_1078 = arith.addf %add3A_1072, %mul3A_1077 : vector<16xf32>
      %get3A_1079 = arith.constant 9 : i32
      %get3A_1080 = arith.index_cast %get3A_1079 : i32 to index
      %get3A_1081 = arith.constant 112 : index
      %get3A_1082 = tpu.vector_load %arg11[%get3A_1080, %get3A_1081] {strides = array<i32>} : memref<16x256xf32, #tpu.memory_space<vmem>>, vector<16xf32>,
      %mul3A_1083 = arith.mulf %get3A_45, %get3A_1082 : vector<16xf32>
      %add3A_1084 = arith.addf %add3A_1078, %mul3A_1083 : vector<16xf32>
      %get3A_1085 = arith.constant 9 : i32
      %get3A_1086 = arith.index_cast %get3A_1085 : i32 to index
      %get3A_1087 = arith.constant 128 : index
      %get3A_1088 = tpu.vector_load %arg11[%get3A_1086, %get3A_1087] {strides = array<i32>} : memref<16x256xf32, #tpu.memory_space<vmem>>, vector<16xf32>,
      %mul3A_1089 = arith.mulf %get3A_49, %get3A_1088 : vector<16xf32>
      %add3A_1090 = arith.addf %add3A_1084, %mul3A_1089 : vector<16xf32>
      %get3A_1091 = arith.constant 9 : i32
      %get3A_1092 = arith.index_cast %get3A_1091 : i32 to index
      %get3A_1093 = arith.constant 144 : index
      %get3A_1094 = tpu.vector_load %arg11[%get3A_1092, %get3A_1093] {strides = array<i32>} : memref<16x256xf32, #tpu.memory_space<vmem>>, vector<16xf32>,
      %mul3A_1095 = arith.mulf %get3A_53, %get3A_1094 : vector<16xf32>
      %add3A_1096 = arith.addf %add3A_1090, %mul3A_1095 : vector<16xf32>
      %get3A_1097 = arith.constant 9 : i32
      %get3A_1098 = arith.index_cast %get3A_1097 : i32 to index
      %get3A_1099 = arith.constant 160 : index
      %get3A_1100 = tpu.vector_load %arg11[%get3A_1098, %get3A_1099] {strides = array<i32>} : memref<16x256xf32, #tpu.memory_space<vmem>>, vector<16xf32>,
      %mul3A_1101 = arith.mulf %get3A_57, %get3A_1100 : vector<16xf32>
      %add3A_1102 = arith.addf %add3A_1096, %mul3A_1101 : vector<16xf32>
      %get3A_1103 = arith.constant 9 : i32
      %get3A_1104 = arith.index_cast %get3A_1103 : i32 to index
      %get3A_1105 = arith.constant 176 : index
      %get3A_1106 = tpu.vector_load %arg11[%get3A_1104, %get3A_1105] {strides = array<i32>} : memref<16x256xf32, #tpu.memory_space<vmem>>, vector<16xf32>,
      %mul3A_1107 = arith.mulf %get3A_61, %get3A_1106 : vector<16xf32>
      %add3A_1108 = arith.addf %add3A_1102, %mul3A_1107 : vector<16xf32>
      %get3A_1109 = arith.constant 9 : i32
      %get3A_1110 = arith.index_cast %get3A_1109 : i32 to index
      %get3A_1111 = arith.constant 192 : index
      %get3A_1112 = tpu.vector_load %arg11[%get3A_1110, %get3A_1111] {strides = array<i32>} : memref<16x256xf32, #tpu.memory_space<vmem>>, vector<16xf32>,
      %mul3A_1113 = arith.mulf %get3A_65, %get3A_1112 : vector<16xf32>
      %add3A_1114 = arith.addf %add3A_1108, %mul3A_1113 : vector<16xf32>
      %get3A_1115 = arith.constant 9 : i32
      %get3A_1116 = arith.index_cast %get3A_1115 : i32 to index
      %get3A_1117 = arith.constant 208 : index
      %get3A_1118 = tpu.vector_load %arg11[%get3A_1116, %get3A_1117] {strides = array<i32>} : memref<16x256xf32, #tpu.memory_space<vmem>>, vector<16xf32>,
      %mul3A_1119 = arith.mulf %get3A_69, %get3A_1118 : vector<16xf32>
      %add3A_1120 = arith.addf %add3A_1114, %mul3A_1119 : vector<16xf32>
      %get3A_1121 = arith.constant 9 : i32
      %get3A_1122 = arith.index_cast %get3A_1121 : i32 to index
      %get3A_1123 = arith.constant 224 : index
      %get3A_1124 = tpu.vector_load %arg11[%get3A_1122, %get3A_1123] {strides = array<i32>} : memref<16x256xf32, #tpu.memory_space<vmem>>, vector<16xf32>,
      %mul3A_1125 = arith.mulf %get3A_73, %get3A_1124 : vector<16xf32>
      %add3A_1126 = arith.addf %add3A_1120, %mul3A_1125 : vector<16xf32>
      %get3A_1127 = arith.constant 9 : i32
      %get3A_1128 = arith.index_cast %get3A_1127 : i32 to index
      %get3A_1129 = arith.constant 240 : index
      %get3A_1130 = tpu.vector_load %arg11[%get3A_1128, %get3A_1129] {strides = array<i32>} : memref<16x256xf32, #tpu.memory_space<vmem>>, vector<16xf32>,
      %mul3A_1131 = arith.mulf %get3A_77, %get3A_1130 : vector<16xf32>
      %add3A_1132 = arith.addf %add3A_1126, %mul3A_1131 : vector<16xf32>
      %reduce_sum3A_1133 = arith.constant true
      %reduce_sum3A_1134 = vector.broadcast %reduce_sum3A_1133 : i1 to vector<16xi1>
      %reduce_sum3A_1135 = tpu.scan <sum>, %add3A_1132 masked %reduce_sum3A_1134 : vector<16xf32>, vector<16xi1> -> vector<16xf32>
      %reduce_sum3A_1136 = vector.extract %reduce_sum3A_1135[15] : f32 from vector<16xf32>
      %eq3A_1137 = arith.constant 9 : i32
      %eq3A_1138 = vector.broadcast %eq3A_1137 : i32 to vector<16xi32>
      %eq3A_1139 = arith.cmpi eq, %iota3A, %eq3A_1138 : vector<16xi32>
      %jit3A_1140 = arith.constant 0.000000e+00 : f32
      %broadcast_in_dim3A_1141 = vector.broadcast %reduce_sum3A_1136 : f32 to vector<16xf32>
      %broadcast_in_dim3A_1142 = vector.broadcast %jit3A_1140 : f32 to vector<16xf32>
      %select_n3A_1143 = arith.select %eq3A_1139, %broadcast_in_dim3A_1141, %broadcast_in_dim3A_1142 : vector<16xi1>, vector<16xf32>
      %add3A_1144 = arith.addf %add3A_1037, %select_n3A_1143 : vector<16xf32>
      %get3A_1145 = arith.constant 10 : i32
      %get3A_1146 = arith.index_cast %get3A_1145 : i32 to index
      %get3A_1147 = arith.constant 0 : index
      %get3A_1148 = tpu.vector_load %arg11[%get3A_1146, %get3A_1147] {strides = array<i32>} : memref<16x256xf32, #tpu.memory_space<vmem>>, vector<16xf32>,
      %mul3A_1149 = arith.mulf %get3A_17, %get3A_1148 : vector<16xf32>
      %get3A_1150 = arith.constant 10 : i32
      %get3A_1151 = arith.index_cast %get3A_1150 : i32 to index
      %get3A_1152 = arith.constant 16 : index
      %get3A_1153 = tpu.vector_load %arg11[%get3A_1151, %get3A_1152] {strides = array<i32>} : memref<16x256xf32, #tpu.memory_space<vmem>>, vector<16xf32>,
      %mul3A_1154 = arith.mulf %get3A_21, %get3A_1153 : vector<16xf32>
      %add3A_1155 = arith.addf %mul3A_1149, %mul3A_1154 : vector<16xf32>
      %get3A_1156 = arith.constant 10 : i32
      %get3A_1157 = arith.index_cast %get3A_1156 : i32 to index
      %get3A_1158 = arith.constant 32 : index
      %get3A_1159 = tpu.vector_load %arg11[%get3A_1157, %get3A_1158] {strides = array<i32>} : memref<16x256xf32, #tpu.memory_space<vmem>>, vector<16xf32>,
      %mul3A_1160 = arith.mulf %get3A_25, %get3A_1159 : vector<16xf32>
      %add3A_1161 = arith.addf %add3A_1155, %mul3A_1160 : vector<16xf32>
      %get3A_1162 = arith.constant 10 : i32
      %get3A_1163 = arith.index_cast %get3A_1162 : i32 to index
      %get3A_1164 = arith.constant 48 : index
      %get3A_1165 = tpu.vector_load %arg11[%get3A_1163, %get3A_1164] {strides = array<i32>} : memref<16x256xf32, #tpu.memory_space<vmem>>, vector<16xf32>,
      %mul3A_1166 = arith.mulf %get3A_29, %get3A_1165 : vector<16xf32>
      %add3A_1167 = arith.addf %add3A_1161, %mul3A_1166 : vector<16xf32>
      %get3A_1168 = arith.constant 10 : i32
      %get3A_1169 = arith.index_cast %get3A_1168 : i32 to index
      %get3A_1170 = arith.constant 64 : index
      %get3A_1171 = tpu.vector_load %arg11[%get3A_1169, %get3A_1170] {strides = array<i32>} : memref<16x256xf32, #tpu.memory_space<vmem>>, vector<16xf32>,
      %mul3A_1172 = arith.mulf %get3A_33, %get3A_1171 : vector<16xf32>
      %add3A_1173 = arith.addf %add3A_1167, %mul3A_1172 : vector<16xf32>
      %get3A_1174 = arith.constant 10 : i32
      %get3A_1175 = arith.index_cast %get3A_1174 : i32 to index
      %get3A_1176 = arith.constant 80 : index
      %get3A_1177 = tpu.vector_load %arg11[%get3A_1175, %get3A_1176] {strides = array<i32>} : memref<16x256xf32, #tpu.memory_space<vmem>>, vector<16xf32>,
      %mul3A_1178 = arith.mulf %get3A_37, %get3A_1177 : vector<16xf32>
      %add3A_1179 = arith.addf %add3A_1173, %mul3A_1178 : vector<16xf32>
      %get3A_1180 = arith.constant 10 : i32
      %get3A_1181 = arith.index_cast %get3A_1180 : i32 to index
      %get3A_1182 = arith.constant 96 : index
      %get3A_1183 = tpu.vector_load %arg11[%get3A_1181, %get3A_1182] {strides = array<i32>} : memref<16x256xf32, #tpu.memory_space<vmem>>, vector<16xf32>,
      %mul3A_1184 = arith.mulf %get3A_41, %get3A_1183 : vector<16xf32>
      %add3A_1185 = arith.addf %add3A_1179, %mul3A_1184 : vector<16xf32>
      %get3A_1186 = arith.constant 10 : i32
      %get3A_1187 = arith.index_cast %get3A_1186 : i32 to index
      %get3A_1188 = arith.constant 112 : index
      %get3A_1189 = tpu.vector_load %arg11[%get3A_1187, %get3A_1188] {strides = array<i32>} : memref<16x256xf32, #tpu.memory_space<vmem>>, vector<16xf32>,
      %mul3A_1190 = arith.mulf %get3A_45, %get3A_1189 : vector<16xf32>
      %add3A_1191 = arith.addf %add3A_1185, %mul3A_1190 : vector<16xf32>
      %get3A_1192 = arith.constant 10 : i32
      %get3A_1193 = arith.index_cast %get3A_1192 : i32 to index
      %get3A_1194 = arith.constant 128 : index
      %get3A_1195 = tpu.vector_load %arg11[%get3A_1193, %get3A_1194] {strides = array<i32>} : memref<16x256xf32, #tpu.memory_space<vmem>>, vector<16xf32>,
      %mul3A_1196 = arith.mulf %get3A_49, %get3A_1195 : vector<16xf32>
      %add3A_1197 = arith.addf %add3A_1191, %mul3A_1196 : vector<16xf32>
      %get3A_1198 = arith.constant 10 : i32
      %get3A_1199 = arith.index_cast %get3A_1198 : i32 to index
      %get3A_1200 = arith.constant 144 : index
      %get3A_1201 = tpu.vector_load %arg11[%get3A_1199, %get3A_1200] {strides = array<i32>} : memref<16x256xf32, #tpu.memory_space<vmem>>, vector<16xf32>,
      %mul3A_1202 = arith.mulf %get3A_53, %get3A_1201 : vector<16xf32>
      %add3A_1203 = arith.addf %add3A_1197, %mul3A_1202 : vector<16xf32>
      %get3A_1204 = arith.constant 10 : i32
      %get3A_1205 = arith.index_cast %get3A_1204 : i32 to index
      %get3A_1206 = arith.constant 160 : index
      %get3A_1207 = tpu.vector_load %arg11[%get3A_1205, %get3A_1206] {strides = array<i32>} : memref<16x256xf32, #tpu.memory_space<vmem>>, vector<16xf32>,
      %mul3A_1208 = arith.mulf %get3A_57, %get3A_1207 : vector<16xf32>
      %add3A_1209 = arith.addf %add3A_1203, %mul3A_1208 : vector<16xf32>
      %get3A_1210 = arith.constant 10 : i32
      %get3A_1211 = arith.index_cast %get3A_1210 : i32 to index
      %get3A_1212 = arith.constant 176 : index
      %get3A_1213 = tpu.vector_load %arg11[%get3A_1211, %get3A_1212] {strides = array<i32>} : memref<16x256xf32, #tpu.memory_space<vmem>>, vector<16xf32>,
      %mul3A_1214 = arith.mulf %get3A_61, %get3A_1213 : vector<16xf32>
      %add3A_1215 = arith.addf %add3A_1209, %mul3A_1214 : vector<16xf32>
      %get3A_1216 = arith.constant 10 : i32
      %get3A_1217 = arith.index_cast %get3A_1216 : i32 to index
      %get3A_1218 = arith.constant 192 : index
      %get3A_1219 = tpu.vector_load %arg11[%get3A_1217, %get3A_1218] {strides = array<i32>} : memref<16x256xf32, #tpu.memory_space<vmem>>, vector<16xf32>,
      %mul3A_1220 = arith.mulf %get3A_65, %get3A_1219 : vector<16xf32>
      %add3A_1221 = arith.addf %add3A_1215, %mul3A_1220 : vector<16xf32>
      %get3A_1222 = arith.constant 10 : i32
      %get3A_1223 = arith.index_cast %get3A_1222 : i32 to index
      %get3A_1224 = arith.constant 208 : index
      %get3A_1225 = tpu.vector_load %arg11[%get3A_1223, %get3A_1224] {strides = array<i32>} : memref<16x256xf32, #tpu.memory_space<vmem>>, vector<16xf32>,
      %mul3A_1226 = arith.mulf %get3A_69, %get3A_1225 : vector<16xf32>
      %add3A_1227 = arith.addf %add3A_1221, %mul3A_1226 : vector<16xf32>
      %get3A_1228 = arith.constant 10 : i32
      %get3A_1229 = arith.index_cast %get3A_1228 : i32 to index
      %get3A_1230 = arith.constant 224 : index
      %get3A_1231 = tpu.vector_load %arg11[%get3A_1229, %get3A_1230] {strides = array<i32>} : memref<16x256xf32, #tpu.memory_space<vmem>>, vector<16xf32>,
      %mul3A_1232 = arith.mulf %get3A_73, %get3A_1231 : vector<16xf32>
      %add3A_1233 = arith.addf %add3A_1227, %mul3A_1232 : vector<16xf32>
      %get3A_1234 = arith.constant 10 : i32
      %get3A_1235 = arith.index_cast %get3A_1234 : i32 to index
      %get3A_1236 = arith.constant 240 : index
      %get3A_1237 = tpu.vector_load %arg11[%get3A_1235, %get3A_1236] {strides = array<i32>} : memref<16x256xf32, #tpu.memory_space<vmem>>, vector<16xf32>,
      %mul3A_1238 = arith.mulf %get3A_77, %get3A_1237 : vector<16xf32>
      %add3A_1239 = arith.addf %add3A_1233, %mul3A_1238 : vector<16xf32>
      %reduce_sum3A_1240 = arith.constant true
      %reduce_sum3A_1241 = vector.broadcast %reduce_sum3A_1240 : i1 to vector<16xi1>
      %reduce_sum3A_1242 = tpu.scan <sum>, %add3A_1239 masked %reduce_sum3A_1241 : vector<16xf32>, vector<16xi1> -> vector<16xf32>
      %reduce_sum3A_1243 = vector.extract %reduce_sum3A_1242[15] : f32 from vector<16xf32>
      %eq3A_1244 = arith.constant 10 : i32
      %eq3A_1245 = vector.broadcast %eq3A_1244 : i32 to vector<16xi32>
      %eq3A_1246 = arith.cmpi eq, %iota3A, %eq3A_1245 : vector<16xi32>
      %jit3A_1247 = arith.constant 0.000000e+00 : f32
      %broadcast_in_dim3A_1248 = vector.broadcast %reduce_sum3A_1243 : f32 to vector<16xf32>
      %broadcast_in_dim3A_1249 = vector.broadcast %jit3A_1247 : f32 to vector<16xf32>
      %select_n3A_1250 = arith.select %eq3A_1246, %broadcast_in_dim3A_1248, %broadcast_in_dim3A_1249 : vector<16xi1>, vector<16xf32>
      %add3A_1251 = arith.addf %add3A_1144, %select_n3A_1250 : vector<16xf32>
      %get3A_1252 = arith.constant 11 : i32
      %get3A_1253 = arith.index_cast %get3A_1252 : i32 to index
      %get3A_1254 = arith.constant 0 : index
      %get3A_1255 = tpu.vector_load %arg11[%get3A_1253, %get3A_1254] {strides = array<i32>} : memref<16x256xf32, #tpu.memory_space<vmem>>, vector<16xf32>,
      %mul3A_1256 = arith.mulf %get3A_17, %get3A_1255 : vector<16xf32>
      %get3A_1257 = arith.constant 11 : i32
      %get3A_1258 = arith.index_cast %get3A_1257 : i32 to index
      %get3A_1259 = arith.constant 16 : index
      %get3A_1260 = tpu.vector_load %arg11[%get3A_1258, %get3A_1259] {strides = array<i32>} : memref<16x256xf32, #tpu.memory_space<vmem>>, vector<16xf32>,
      %mul3A_1261 = arith.mulf %get3A_21, %get3A_1260 : vector<16xf32>
      %add3A_1262 = arith.addf %mul3A_1256, %mul3A_1261 : vector<16xf32>
      %get3A_1263 = arith.constant 11 : i32
      %get3A_1264 = arith.index_cast %get3A_1263 : i32 to index
      %get3A_1265 = arith.constant 32 : index
      %get3A_1266 = tpu.vector_load %arg11[%get3A_1264, %get3A_1265] {strides = array<i32>} : memref<16x256xf32, #tpu.memory_space<vmem>>, vector<16xf32>,
      %mul3A_1267 = arith.mulf %get3A_25, %get3A_1266 : vector<16xf32>
      %add3A_1268 = arith.addf %add3A_1262, %mul3A_1267 : vector<16xf32>
      %get3A_1269 = arith.constant 11 : i32
      %get3A_1270 = arith.index_cast %get3A_1269 : i32 to index
      %get3A_1271 = arith.constant 48 : index
      %get3A_1272 = tpu.vector_load %arg11[%get3A_1270, %get3A_1271] {strides = array<i32>} : memref<16x256xf32, #tpu.memory_space<vmem>>, vector<16xf32>,
      %mul3A_1273 = arith.mulf %get3A_29, %get3A_1272 : vector<16xf32>
      %add3A_1274 = arith.addf %add3A_1268, %mul3A_1273 : vector<16xf32>
      %get3A_1275 = arith.constant 11 : i32
      %get3A_1276 = arith.index_cast %get3A_1275 : i32 to index
      %get3A_1277 = arith.constant 64 : index
      %get3A_1278 = tpu.vector_load %arg11[%get3A_1276, %get3A_1277] {strides = array<i32>} : memref<16x256xf32, #tpu.memory_space<vmem>>, vector<16xf32>,
      %mul3A_1279 = arith.mulf %get3A_33, %get3A_1278 : vector<16xf32>
      %add3A_1280 = arith.addf %add3A_1274, %mul3A_1279 : vector<16xf32>
      %get3A_1281 = arith.constant 11 : i32
      %get3A_1282 = arith.index_cast %get3A_1281 : i32 to index
      %get3A_1283 = arith.constant 80 : index
      %get3A_1284 = tpu.vector_load %arg11[%get3A_1282, %get3A_1283] {strides = array<i32>} : memref<16x256xf32, #tpu.memory_space<vmem>>, vector<16xf32>,
      %mul3A_1285 = arith.mulf %get3A_37, %get3A_1284 : vector<16xf32>
      %add3A_1286 = arith.addf %add3A_1280, %mul3A_1285 : vector<16xf32>
      %get3A_1287 = arith.constant 11 : i32
      %get3A_1288 = arith.index_cast %get3A_1287 : i32 to index
      %get3A_1289 = arith.constant 96 : index
      %get3A_1290 = tpu.vector_load %arg11[%get3A_1288, %get3A_1289] {strides = array<i32>} : memref<16x256xf32, #tpu.memory_space<vmem>>, vector<16xf32>,
      %mul3A_1291 = arith.mulf %get3A_41, %get3A_1290 : vector<16xf32>
      %add3A_1292 = arith.addf %add3A_1286, %mul3A_1291 : vector<16xf32>
      %get3A_1293 = arith.constant 11 : i32
      %get3A_1294 = arith.index_cast %get3A_1293 : i32 to index
      %get3A_1295 = arith.constant 112 : index
      %get3A_1296 = tpu.vector_load %arg11[%get3A_1294, %get3A_1295] {strides = array<i32>} : memref<16x256xf32, #tpu.memory_space<vmem>>, vector<16xf32>,
      %mul3A_1297 = arith.mulf %get3A_45, %get3A_1296 : vector<16xf32>
      %add3A_1298 = arith.addf %add3A_1292, %mul3A_1297 : vector<16xf32>
      %get3A_1299 = arith.constant 11 : i32
      %get3A_1300 = arith.index_cast %get3A_1299 : i32 to index
      %get3A_1301 = arith.constant 128 : index
      %get3A_1302 = tpu.vector_load %arg11[%get3A_1300, %get3A_1301] {strides = array<i32>} : memref<16x256xf32, #tpu.memory_space<vmem>>, vector<16xf32>,
      %mul3A_1303 = arith.mulf %get3A_49, %get3A_1302 : vector<16xf32>
      %add3A_1304 = arith.addf %add3A_1298, %mul3A_1303 : vector<16xf32>
      %get3A_1305 = arith.constant 11 : i32
      %get3A_1306 = arith.index_cast %get3A_1305 : i32 to index
      %get3A_1307 = arith.constant 144 : index
      %get3A_1308 = tpu.vector_load %arg11[%get3A_1306, %get3A_1307] {strides = array<i32>} : memref<16x256xf32, #tpu.memory_space<vmem>>, vector<16xf32>,
      %mul3A_1309 = arith.mulf %get3A_53, %get3A_1308 : vector<16xf32>
      %add3A_1310 = arith.addf %add3A_1304, %mul3A_1309 : vector<16xf32>
      %get3A_1311 = arith.constant 11 : i32
      %get3A_1312 = arith.index_cast %get3A_1311 : i32 to index
      %get3A_1313 = arith.constant 160 : index
      %get3A_1314 = tpu.vector_load %arg11[%get3A_1312, %get3A_1313] {strides = array<i32>} : memref<16x256xf32, #tpu.memory_space<vmem>>, vector<16xf32>,
      %mul3A_1315 = arith.mulf %get3A_57, %get3A_1314 : vector<16xf32>
      %add3A_1316 = arith.addf %add3A_1310, %mul3A_1315 : vector<16xf32>
      %get3A_1317 = arith.constant 11 : i32
      %get3A_1318 = arith.index_cast %get3A_1317 : i32 to index
      %get3A_1319 = arith.constant 176 : index
      %get3A_1320 = tpu.vector_load %arg11[%get3A_1318, %get3A_1319] {strides = array<i32>} : memref<16x256xf32, #tpu.memory_space<vmem>>, vector<16xf32>,
      %mul3A_1321 = arith.mulf %get3A_61, %get3A_1320 : vector<16xf32>
      %add3A_1322 = arith.addf %add3A_1316, %mul3A_1321 : vector<16xf32>
      %get3A_1323 = arith.constant 11 : i32
      %get3A_1324 = arith.index_cast %get3A_1323 : i32 to index
      %get3A_1325 = arith.constant 192 : index
      %get3A_1326 = tpu.vector_load %arg11[%get3A_1324, %get3A_1325] {strides = array<i32>} : memref<16x256xf32, #tpu.memory_space<vmem>>, vector<16xf32>,
      %mul3A_1327 = arith.mulf %get3A_65, %get3A_1326 : vector<16xf32>
      %add3A_1328 = arith.addf %add3A_1322, %mul3A_1327 : vector<16xf32>
      %get3A_1329 = arith.constant 11 : i32
      %get3A_1330 = arith.index_cast %get3A_1329 : i32 to index
      %get3A_1331 = arith.constant 208 : index
      %get3A_1332 = tpu.vector_load %arg11[%get3A_1330, %get3A_1331] {strides = array<i32>} : memref<16x256xf32, #tpu.memory_space<vmem>>, vector<16xf32>,
      %mul3A_1333 = arith.mulf %get3A_69, %get3A_1332 : vector<16xf32>
      %add3A_1334 = arith.addf %add3A_1328, %mul3A_1333 : vector<16xf32>
      %get3A_1335 = arith.constant 11 : i32
      %get3A_1336 = arith.index_cast %get3A_1335 : i32 to index
      %get3A_1337 = arith.constant 224 : index
      %get3A_1338 = tpu.vector_load %arg11[%get3A_1336, %get3A_1337] {strides = array<i32>} : memref<16x256xf32, #tpu.memory_space<vmem>>, vector<16xf32>,
      %mul3A_1339 = arith.mulf %get3A_73, %get3A_1338 : vector<16xf32>
      %add3A_1340 = arith.addf %add3A_1334, %mul3A_1339 : vector<16xf32>
      %get3A_1341 = arith.constant 11 : i32
      %get3A_1342 = arith.index_cast %get3A_1341 : i32 to index
      %get3A_1343 = arith.constant 240 : index
      %get3A_1344 = tpu.vector_load %arg11[%get3A_1342, %get3A_1343] {strides = array<i32>} : memref<16x256xf32, #tpu.memory_space<vmem>>, vector<16xf32>,
      %mul3A_1345 = arith.mulf %get3A_77, %get3A_1344 : vector<16xf32>
      %add3A_1346 = arith.addf %add3A_1340, %mul3A_1345 : vector<16xf32>
      %reduce_sum3A_1347 = arith.constant true
      %reduce_sum3A_1348 = vector.broadcast %reduce_sum3A_1347 : i1 to vector<16xi1>
      %reduce_sum3A_1349 = tpu.scan <sum>, %add3A_1346 masked %reduce_sum3A_1348 : vector<16xf32>, vector<16xi1> -> vector<16xf32>
      %reduce_sum3A_1350 = vector.extract %reduce_sum3A_1349[15] : f32 from vector<16xf32>
      %eq3A_1351 = arith.constant 11 : i32
      %eq3A_1352 = vector.broadcast %eq3A_1351 : i32 to vector<16xi32>
      %eq3A_1353 = arith.cmpi eq, %iota3A, %eq3A_1352 : vector<16xi32>
      %jit3A_1354 = arith.constant 0.000000e+00 : f32
      %broadcast_in_dim3A_1355 = vector.broadcast %reduce_sum3A_1350 : f32 to vector<16xf32>
      %broadcast_in_dim3A_1356 = vector.broadcast %jit3A_1354 : f32 to vector<16xf32>
      %select_n3A_1357 = arith.select %eq3A_1353, %broadcast_in_dim3A_1355, %broadcast_in_dim3A_1356 : vector<16xi1>, vector<16xf32>
      %add3A_1358 = arith.addf %add3A_1251, %select_n3A_1357 : vector<16xf32>
      %get3A_1359 = arith.constant 12 : i32
      %get3A_1360 = arith.index_cast %get3A_1359 : i32 to index
      %get3A_1361 = arith.constant 0 : index
      %get3A_1362 = tpu.vector_load %arg11[%get3A_1360, %get3A_1361] {strides = array<i32>} : memref<16x256xf32, #tpu.memory_space<vmem>>, vector<16xf32>,
      %mul3A_1363 = arith.mulf %get3A_17, %get3A_1362 : vector<16xf32>
      %get3A_1364 = arith.constant 12 : i32
      %get3A_1365 = arith.index_cast %get3A_1364 : i32 to index
      %get3A_1366 = arith.constant 16 : index
      %get3A_1367 = tpu.vector_load %arg11[%get3A_1365, %get3A_1366] {strides = array<i32>} : memref<16x256xf32, #tpu.memory_space<vmem>>, vector<16xf32>,
      %mul3A_1368 = arith.mulf %get3A_21, %get3A_1367 : vector<16xf32>
      %add3A_1369 = arith.addf %mul3A_1363, %mul3A_1368 : vector<16xf32>
      %get3A_1370 = arith.constant 12 : i32
      %get3A_1371 = arith.index_cast %get3A_1370 : i32 to index
      %get3A_1372 = arith.constant 32 : index
      %get3A_1373 = tpu.vector_load %arg11[%get3A_1371, %get3A_1372] {strides = array<i32>} : memref<16x256xf32, #tpu.memory_space<vmem>>, vector<16xf32>,
      %mul3A_1374 = arith.mulf %get3A_25, %get3A_1373 : vector<16xf32>
      %add3A_1375 = arith.addf %add3A_1369, %mul3A_1374 : vector<16xf32>
      %get3A_1376 = arith.constant 12 : i32
      %get3A_1377 = arith.index_cast %get3A_1376 : i32 to index
      %get3A_1378 = arith.constant 48 : index
      %get3A_1379 = tpu.vector_load %arg11[%get3A_1377, %get3A_1378] {strides = array<i32>} : memref<16x256xf32, #tpu.memory_space<vmem>>, vector<16xf32>,
      %mul3A_1380 = arith.mulf %get3A_29, %get3A_1379 : vector<16xf32>
      %add3A_1381 = arith.addf %add3A_1375, %mul3A_1380 : vector<16xf32>
      %get3A_1382 = arith.constant 12 : i32
      %get3A_1383 = arith.index_cast %get3A_1382 : i32 to index
      %get3A_1384 = arith.constant 64 : index
      %get3A_1385 = tpu.vector_load %arg11[%get3A_1383, %get3A_1384] {strides = array<i32>} : memref<16x256xf32, #tpu.memory_space<vmem>>, vector<16xf32>,
      %mul3A_1386 = arith.mulf %get3A_33, %get3A_1385 : vector<16xf32>
      %add3A_1387 = arith.addf %add3A_1381, %mul3A_1386 : vector<16xf32>
      %get3A_1388 = arith.constant 12 : i32
      %get3A_1389 = arith.index_cast %get3A_1388 : i32 to index
      %get3A_1390 = arith.constant 80 : index
      %get3A_1391 = tpu.vector_load %arg11[%get3A_1389, %get3A_1390] {strides = array<i32>} : memref<16x256xf32, #tpu.memory_space<vmem>>, vector<16xf32>,
      %mul3A_1392 = arith.mulf %get3A_37, %get3A_1391 : vector<16xf32>
      %add3A_1393 = arith.addf %add3A_1387, %mul3A_1392 : vector<16xf32>
      %get3A_1394 = arith.constant 12 : i32
      %get3A_1395 = arith.index_cast %get3A_1394 : i32 to index
      %get3A_1396 = arith.constant 96 : index
      %get3A_1397 = tpu.vector_load %arg11[%get3A_1395, %get3A_1396] {strides = array<i32>} : memref<16x256xf32, #tpu.memory_space<vmem>>, vector<16xf32>,
      %mul3A_1398 = arith.mulf %get3A_41, %get3A_1397 : vector<16xf32>
      %add3A_1399 = arith.addf %add3A_1393, %mul3A_1398 : vector<16xf32>
      %get3A_1400 = arith.constant 12 : i32
      %get3A_1401 = arith.index_cast %get3A_1400 : i32 to index
      %get3A_1402 = arith.constant 112 : index
      %get3A_1403 = tpu.vector_load %arg11[%get3A_1401, %get3A_1402] {strides = array<i32>} : memref<16x256xf32, #tpu.memory_space<vmem>>, vector<16xf32>,
      %mul3A_1404 = arith.mulf %get3A_45, %get3A_1403 : vector<16xf32>
      %add3A_1405 = arith.addf %add3A_1399, %mul3A_1404 : vector<16xf32>
      %get3A_1406 = arith.constant 12 : i32
      %get3A_1407 = arith.index_cast %get3A_1406 : i32 to index
      %get3A_1408 = arith.constant 128 : index
      %get3A_1409 = tpu.vector_load %arg11[%get3A_1407, %get3A_1408] {strides = array<i32>} : memref<16x256xf32, #tpu.memory_space<vmem>>, vector<16xf32>,
      %mul3A_1410 = arith.mulf %get3A_49, %get3A_1409 : vector<16xf32>
      %add3A_1411 = arith.addf %add3A_1405, %mul3A_1410 : vector<16xf32>
      %get3A_1412 = arith.constant 12 : i32
      %get3A_1413 = arith.index_cast %get3A_1412 : i32 to index
      %get3A_1414 = arith.constant 144 : index
      %get3A_1415 = tpu.vector_load %arg11[%get3A_1413, %get3A_1414] {strides = array<i32>} : memref<16x256xf32, #tpu.memory_space<vmem>>, vector<16xf32>,
      %mul3A_1416 = arith.mulf %get3A_53, %get3A_1415 : vector<16xf32>
      %add3A_1417 = arith.addf %add3A_1411, %mul3A_1416 : vector<16xf32>
      %get3A_1418 = arith.constant 12 : i32
      %get3A_1419 = arith.index_cast %get3A_1418 : i32 to index
      %get3A_1420 = arith.constant 160 : index
      %get3A_1421 = tpu.vector_load %arg11[%get3A_1419, %get3A_1420] {strides = array<i32>} : memref<16x256xf32, #tpu.memory_space<vmem>>, vector<16xf32>,
      %mul3A_1422 = arith.mulf %get3A_57, %get3A_1421 : vector<16xf32>
      %add3A_1423 = arith.addf %add3A_1417, %mul3A_1422 : vector<16xf32>
      %get3A_1424 = arith.constant 12 : i32
      %get3A_1425 = arith.index_cast %get3A_1424 : i32 to index
      %get3A_1426 = arith.constant 176 : index
      %get3A_1427 = tpu.vector_load %arg11[%get3A_1425, %get3A_1426] {strides = array<i32>} : memref<16x256xf32, #tpu.memory_space<vmem>>, vector<16xf32>,
      %mul3A_1428 = arith.mulf %get3A_61, %get3A_1427 : vector<16xf32>
      %add3A_1429 = arith.addf %add3A_1423, %mul3A_1428 : vector<16xf32>
      %get3A_1430 = arith.constant 12 : i32
      %get3A_1431 = arith.index_cast %get3A_1430 : i32 to index
      %get3A_1432 = arith.constant 192 : index
      %get3A_1433 = tpu.vector_load %arg11[%get3A_1431, %get3A_1432] {strides = array<i32>} : memref<16x256xf32, #tpu.memory_space<vmem>>, vector<16xf32>,
      %mul3A_1434 = arith.mulf %get3A_65, %get3A_1433 : vector<16xf32>
      %add3A_1435 = arith.addf %add3A_1429, %mul3A_1434 : vector<16xf32>
      %get3A_1436 = arith.constant 12 : i32
      %get3A_1437 = arith.index_cast %get3A_1436 : i32 to index
      %get3A_1438 = arith.constant 208 : index
      %get3A_1439 = tpu.vector_load %arg11[%get3A_1437, %get3A_1438] {strides = array<i32>} : memref<16x256xf32, #tpu.memory_space<vmem>>, vector<16xf32>,
      %mul3A_1440 = arith.mulf %get3A_69, %get3A_1439 : vector<16xf32>
      %add3A_1441 = arith.addf %add3A_1435, %mul3A_1440 : vector<16xf32>
      %get3A_1442 = arith.constant 12 : i32
      %get3A_1443 = arith.index_cast %get3A_1442 : i32 to index
      %get3A_1444 = arith.constant 224 : index
      %get3A_1445 = tpu.vector_load %arg11[%get3A_1443, %get3A_1444] {strides = array<i32>} : memref<16x256xf32, #tpu.memory_space<vmem>>, vector<16xf32>,
      %mul3A_1446 = arith.mulf %get3A_73, %get3A_1445 : vector<16xf32>
      %add3A_1447 = arith.addf %add3A_1441, %mul3A_1446 : vector<16xf32>
      %get3A_1448 = arith.constant 12 : i32
      %get3A_1449 = arith.index_cast %get3A_1448 : i32 to index
      %get3A_1450 = arith.constant 240 : index
      %get3A_1451 = tpu.vector_load %arg11[%get3A_1449, %get3A_1450] {strides = array<i32>} : memref<16x256xf32, #tpu.memory_space<vmem>>, vector<16xf32>,
      %mul3A_1452 = arith.mulf %get3A_77, %get3A_1451 : vector<16xf32>
      %add3A_1453 = arith.addf %add3A_1447, %mul3A_1452 : vector<16xf32>
      %reduce_sum3A_1454 = arith.constant true
      %reduce_sum3A_1455 = vector.broadcast %reduce_sum3A_1454 : i1 to vector<16xi1>
      %reduce_sum3A_1456 = tpu.scan <sum>, %add3A_1453 masked %reduce_sum3A_1455 : vector<16xf32>, vector<16xi1> -> vector<16xf32>
      %reduce_sum3A_1457 = vector.extract %reduce_sum3A_1456[15] : f32 from vector<16xf32>
      %eq3A_1458 = arith.constant 12 : i32
      %eq3A_1459 = vector.broadcast %eq3A_1458 : i32 to vector<16xi32>
      %eq3A_1460 = arith.cmpi eq, %iota3A, %eq3A_1459 : vector<16xi32>
      %jit3A_1461 = arith.constant 0.000000e+00 : f32
      %broadcast_in_dim3A_1462 = vector.broadcast %reduce_sum3A_1457 : f32 to vector<16xf32>
      %broadcast_in_dim3A_1463 = vector.broadcast %jit3A_1461 : f32 to vector<16xf32>
      %select_n3A_1464 = arith.select %eq3A_1460, %broadcast_in_dim3A_1462, %broadcast_in_dim3A_1463 : vector<16xi1>, vector<16xf32>
      %add3A_1465 = arith.addf %add3A_1358, %select_n3A_1464 : vector<16xf32>
      %get3A_1466 = arith.constant 13 : i32
      %get3A_1467 = arith.index_cast %get3A_1466 : i32 to index
      %get3A_1468 = arith.constant 0 : index
      %get3A_1469 = tpu.vector_load %arg11[%get3A_1467, %get3A_1468] {strides = array<i32>} : memref<16x256xf32, #tpu.memory_space<vmem>>, vector<16xf32>,
      %mul3A_1470 = arith.mulf %get3A_17, %get3A_1469 : vector<16xf32>
      %get3A_1471 = arith.constant 13 : i32
      %get3A_1472 = arith.index_cast %get3A_1471 : i32 to index
      %get3A_1473 = arith.constant 16 : index
      %get3A_1474 = tpu.vector_load %arg11[%get3A_1472, %get3A_1473] {strides = array<i32>} : memref<16x256xf32, #tpu.memory_space<vmem>>, vector<16xf32>,
      %mul3A_1475 = arith.mulf %get3A_21, %get3A_1474 : vector<16xf32>
      %add3A_1476 = arith.addf %mul3A_1470, %mul3A_1475 : vector<16xf32>
      %get3A_1477 = arith.constant 13 : i32
      %get3A_1478 = arith.index_cast %get3A_1477 : i32 to index
      %get3A_1479 = arith.constant 32 : index
      %get3A_1480 = tpu.vector_load %arg11[%get3A_1478, %get3A_1479] {strides = array<i32>} : memref<16x256xf32, #tpu.memory_space<vmem>>, vector<16xf32>,
      %mul3A_1481 = arith.mulf %get3A_25, %get3A_1480 : vector<16xf32>
      %add3A_1482 = arith.addf %add3A_1476, %mul3A_1481 : vector<16xf32>
      %get3A_1483 = arith.constant 13 : i32
      %get3A_1484 = arith.index_cast %get3A_1483 : i32 to index
      %get3A_1485 = arith.constant 48 : index
      %get3A_1486 = tpu.vector_load %arg11[%get3A_1484, %get3A_1485] {strides = array<i32>} : memref<16x256xf32, #tpu.memory_space<vmem>>, vector<16xf32>,
      %mul3A_1487 = arith.mulf %get3A_29, %get3A_1486 : vector<16xf32>
      %add3A_1488 = arith.addf %add3A_1482, %mul3A_1487 : vector<16xf32>
      %get3A_1489 = arith.constant 13 : i32
      %get3A_1490 = arith.index_cast %get3A_1489 : i32 to index
      %get3A_1491 = arith.constant 64 : index
      %get3A_1492 = tpu.vector_load %arg11[%get3A_1490, %get3A_1491] {strides = array<i32>} : memref<16x256xf32, #tpu.memory_space<vmem>>, vector<16xf32>,
      %mul3A_1493 = arith.mulf %get3A_33, %get3A_1492 : vector<16xf32>
      %add3A_1494 = arith.addf %add3A_1488, %mul3A_1493 : vector<16xf32>
      %get3A_1495 = arith.constant 13 : i32
      %get3A_1496 = arith.index_cast %get3A_1495 : i32 to index
      %get3A_1497 = arith.constant 80 : index
      %get3A_1498 = tpu.vector_load %arg11[%get3A_1496, %get3A_1497] {strides = array<i32>} : memref<16x256xf32, #tpu.memory_space<vmem>>, vector<16xf32>,
      %mul3A_1499 = arith.mulf %get3A_37, %get3A_1498 : vector<16xf32>
      %add3A_1500 = arith.addf %add3A_1494, %mul3A_1499 : vector<16xf32>
      %get3A_1501 = arith.constant 13 : i32
      %get3A_1502 = arith.index_cast %get3A_1501 : i32 to index
      %get3A_1503 = arith.constant 96 : index
      %get3A_1504 = tpu.vector_load %arg11[%get3A_1502, %get3A_1503] {strides = array<i32>} : memref<16x256xf32, #tpu.memory_space<vmem>>, vector<16xf32>,
      %mul3A_1505 = arith.mulf %get3A_41, %get3A_1504 : vector<16xf32>
      %add3A_1506 = arith.addf %add3A_1500, %mul3A_1505 : vector<16xf32>
      %get3A_1507 = arith.constant 13 : i32
      %get3A_1508 = arith.index_cast %get3A_1507 : i32 to index
      %get3A_1509 = arith.constant 112 : index
      %get3A_1510 = tpu.vector_load %arg11[%get3A_1508, %get3A_1509] {strides = array<i32>} : memref<16x256xf32, #tpu.memory_space<vmem>>, vector<16xf32>,
      %mul3A_1511 = arith.mulf %get3A_45, %get3A_1510 : vector<16xf32>
      %add3A_1512 = arith.addf %add3A_1506, %mul3A_1511 : vector<16xf32>
      %get3A_1513 = arith.constant 13 : i32
      %get3A_1514 = arith.index_cast %get3A_1513 : i32 to index
      %get3A_1515 = arith.constant 128 : index
      %get3A_1516 = tpu.vector_load %arg11[%get3A_1514, %get3A_1515] {strides = array<i32>} : memref<16x256xf32, #tpu.memory_space<vmem>>, vector<16xf32>,
      %mul3A_1517 = arith.mulf %get3A_49, %get3A_1516 : vector<16xf32>
      %add3A_1518 = arith.addf %add3A_1512, %mul3A_1517 : vector<16xf32>
      %get3A_1519 = arith.constant 13 : i32
      %get3A_1520 = arith.index_cast %get3A_1519 : i32 to index
      %get3A_1521 = arith.constant 144 : index
      %get3A_1522 = tpu.vector_load %arg11[%get3A_1520, %get3A_1521] {strides = array<i32>} : memref<16x256xf32, #tpu.memory_space<vmem>>, vector<16xf32>,
      %mul3A_1523 = arith.mulf %get3A_53, %get3A_1522 : vector<16xf32>
      %add3A_1524 = arith.addf %add3A_1518, %mul3A_1523 : vector<16xf32>
      %get3A_1525 = arith.constant 13 : i32
      %get3A_1526 = arith.index_cast %get3A_1525 : i32 to index
      %get3A_1527 = arith.constant 160 : index
      %get3A_1528 = tpu.vector_load %arg11[%get3A_1526, %get3A_1527] {strides = array<i32>} : memref<16x256xf32, #tpu.memory_space<vmem>>, vector<16xf32>,
      %mul3A_1529 = arith.mulf %get3A_57, %get3A_1528 : vector<16xf32>
      %add3A_1530 = arith.addf %add3A_1524, %mul3A_1529 : vector<16xf32>
      %get3A_1531 = arith.constant 13 : i32
      %get3A_1532 = arith.index_cast %get3A_1531 : i32 to index
      %get3A_1533 = arith.constant 176 : index
      %get3A_1534 = tpu.vector_load %arg11[%get3A_1532, %get3A_1533] {strides = array<i32>} : memref<16x256xf32, #tpu.memory_space<vmem>>, vector<16xf32>,
      %mul3A_1535 = arith.mulf %get3A_61, %get3A_1534 : vector<16xf32>
      %add3A_1536 = arith.addf %add3A_1530, %mul3A_1535 : vector<16xf32>
      %get3A_1537 = arith.constant 13 : i32
      %get3A_1538 = arith.index_cast %get3A_1537 : i32 to index
      %get3A_1539 = arith.constant 192 : index
      %get3A_1540 = tpu.vector_load %arg11[%get3A_1538, %get3A_1539] {strides = array<i32>} : memref<16x256xf32, #tpu.memory_space<vmem>>, vector<16xf32>,
      %mul3A_1541 = arith.mulf %get3A_65, %get3A_1540 : vector<16xf32>
      %add3A_1542 = arith.addf %add3A_1536, %mul3A_1541 : vector<16xf32>
      %get3A_1543 = arith.constant 13 : i32
      %get3A_1544 = arith.index_cast %get3A_1543 : i32 to index
      %get3A_1545 = arith.constant 208 : index
      %get3A_1546 = tpu.vector_load %arg11[%get3A_1544, %get3A_1545] {strides = array<i32>} : memref<16x256xf32, #tpu.memory_space<vmem>>, vector<16xf32>,
      %mul3A_1547 = arith.mulf %get3A_69, %get3A_1546 : vector<16xf32>
      %add3A_1548 = arith.addf %add3A_1542, %mul3A_1547 : vector<16xf32>
      %get3A_1549 = arith.constant 13 : i32
      %get3A_1550 = arith.index_cast %get3A_1549 : i32 to index
      %get3A_1551 = arith.constant 224 : index
      %get3A_1552 = tpu.vector_load %arg11[%get3A_1550, %get3A_1551] {strides = array<i32>} : memref<16x256xf32, #tpu.memory_space<vmem>>, vector<16xf32>,
      %mul3A_1553 = arith.mulf %get3A_73, %get3A_1552 : vector<16xf32>
      %add3A_1554 = arith.addf %add3A_1548, %mul3A_1553 : vector<16xf32>
      %get3A_1555 = arith.constant 13 : i32
      %get3A_1556 = arith.index_cast %get3A_1555 : i32 to index
      %get3A_1557 = arith.constant 240 : index
      %get3A_1558 = tpu.vector_load %arg11[%get3A_1556, %get3A_1557] {strides = array<i32>} : memref<16x256xf32, #tpu.memory_space<vmem>>, vector<16xf32>,
      %mul3A_1559 = arith.mulf %get3A_77, %get3A_1558 : vector<16xf32>
      %add3A_1560 = arith.addf %add3A_1554, %mul3A_1559 : vector<16xf32>
      %reduce_sum3A_1561 = arith.constant true
      %reduce_sum3A_1562 = vector.broadcast %reduce_sum3A_1561 : i1 to vector<16xi1>
      %reduce_sum3A_1563 = tpu.scan <sum>, %add3A_1560 masked %reduce_sum3A_1562 : vector<16xf32>, vector<16xi1> -> vector<16xf32>
      %reduce_sum3A_1564 = vector.extract %reduce_sum3A_1563[15] : f32 from vector<16xf32>
      %eq3A_1565 = arith.constant 13 : i32
      %eq3A_1566 = vector.broadcast %eq3A_1565 : i32 to vector<16xi32>
      %eq3A_1567 = arith.cmpi eq, %iota3A, %eq3A_1566 : vector<16xi32>
      %jit3A_1568 = arith.constant 0.000000e+00 : f32
      %broadcast_in_dim3A_1569 = vector.broadcast %reduce_sum3A_1564 : f32 to vector<16xf32>
      %broadcast_in_dim3A_1570 = vector.broadcast %jit3A_1568 : f32 to vector<16xf32>
      %select_n3A_1571 = arith.select %eq3A_1567, %broadcast_in_dim3A_1569, %broadcast_in_dim3A_1570 : vector<16xi1>, vector<16xf32>
      %add3A_1572 = arith.addf %add3A_1465, %select_n3A_1571 : vector<16xf32>
      %get3A_1573 = arith.constant 14 : i32
      %get3A_1574 = arith.index_cast %get3A_1573 : i32 to index
      %get3A_1575 = arith.constant 0 : index
      %get3A_1576 = tpu.vector_load %arg11[%get3A_1574, %get3A_1575] {strides = array<i32>} : memref<16x256xf32, #tpu.memory_space<vmem>>, vector<16xf32>,
      %mul3A_1577 = arith.mulf %get3A_17, %get3A_1576 : vector<16xf32>
      %get3A_1578 = arith.constant 14 : i32
      %get3A_1579 = arith.index_cast %get3A_1578 : i32 to index
      %get3A_1580 = arith.constant 16 : index
      %get3A_1581 = tpu.vector_load %arg11[%get3A_1579, %get3A_1580] {strides = array<i32>} : memref<16x256xf32, #tpu.memory_space<vmem>>, vector<16xf32>,
      %mul3A_1582 = arith.mulf %get3A_21, %get3A_1581 : vector<16xf32>
      %add3A_1583 = arith.addf %mul3A_1577, %mul3A_1582 : vector<16xf32>
      %get3A_1584 = arith.constant 14 : i32
      %get3A_1585 = arith.index_cast %get3A_1584 : i32 to index
      %get3A_1586 = arith.constant 32 : index
      %get3A_1587 = tpu.vector_load %arg11[%get3A_1585, %get3A_1586] {strides = array<i32>} : memref<16x256xf32, #tpu.memory_space<vmem>>, vector<16xf32>,
      %mul3A_1588 = arith.mulf %get3A_25, %get3A_1587 : vector<16xf32>
      %add3A_1589 = arith.addf %add3A_1583, %mul3A_1588 : vector<16xf32>
      %get3A_1590 = arith.constant 14 : i32
      %get3A_1591 = arith.index_cast %get3A_1590 : i32 to index
      %get3A_1592 = arith.constant 48 : index
      %get3A_1593 = tpu.vector_load %arg11[%get3A_1591, %get3A_1592] {strides = array<i32>} : memref<16x256xf32, #tpu.memory_space<vmem>>, vector<16xf32>,
      %mul3A_1594 = arith.mulf %get3A_29, %get3A_1593 : vector<16xf32>
      %add3A_1595 = arith.addf %add3A_1589, %mul3A_1594 : vector<16xf32>
      %get3A_1596 = arith.constant 14 : i32
      %get3A_1597 = arith.index_cast %get3A_1596 : i32 to index
      %get3A_1598 = arith.constant 64 : index
      %get3A_1599 = tpu.vector_load %arg11[%get3A_1597, %get3A_1598] {strides = array<i32>} : memref<16x256xf32, #tpu.memory_space<vmem>>, vector<16xf32>,
      %mul3A_1600 = arith.mulf %get3A_33, %get3A_1599 : vector<16xf32>
      %add3A_1601 = arith.addf %add3A_1595, %mul3A_1600 : vector<16xf32>
      %get3A_1602 = arith.constant 14 : i32
      %get3A_1603 = arith.index_cast %get3A_1602 : i32 to index
      %get3A_1604 = arith.constant 80 : index
      %get3A_1605 = tpu.vector_load %arg11[%get3A_1603, %get3A_1604] {strides = array<i32>} : memref<16x256xf32, #tpu.memory_space<vmem>>, vector<16xf32>,
      %mul3A_1606 = arith.mulf %get3A_37, %get3A_1605 : vector<16xf32>
      %add3A_1607 = arith.addf %add3A_1601, %mul3A_1606 : vector<16xf32>
      %get3A_1608 = arith.constant 14 : i32
      %get3A_1609 = arith.index_cast %get3A_1608 : i32 to index
      %get3A_1610 = arith.constant 96 : index
      %get3A_1611 = tpu.vector_load %arg11[%get3A_1609, %get3A_1610] {strides = array<i32>} : memref<16x256xf32, #tpu.memory_space<vmem>>, vector<16xf32>,
      %mul3A_1612 = arith.mulf %get3A_41, %get3A_1611 : vector<16xf32>
      %add3A_1613 = arith.addf %add3A_1607, %mul3A_1612 : vector<16xf32>
      %get3A_1614 = arith.constant 14 : i32
      %get3A_1615 = arith.index_cast %get3A_1614 : i32 to index
      %get3A_1616 = arith.constant 112 : index
      %get3A_1617 = tpu.vector_load %arg11[%get3A_1615, %get3A_1616] {strides = array<i32>} : memref<16x256xf32, #tpu.memory_space<vmem>>, vector<16xf32>,
      %mul3A_1618 = arith.mulf %get3A_45, %get3A_1617 : vector<16xf32>
      %add3A_1619 = arith.addf %add3A_1613, %mul3A_1618 : vector<16xf32>
      %get3A_1620 = arith.constant 14 : i32
      %get3A_1621 = arith.index_cast %get3A_1620 : i32 to index
      %get3A_1622 = arith.constant 128 : index
      %get3A_1623 = tpu.vector_load %arg11[%get3A_1621, %get3A_1622] {strides = array<i32>} : memref<16x256xf32, #tpu.memory_space<vmem>>, vector<16xf32>,
      %mul3A_1624 = arith.mulf %get3A_49, %get3A_1623 : vector<16xf32>
      %add3A_1625 = arith.addf %add3A_1619, %mul3A_1624 : vector<16xf32>
      %get3A_1626 = arith.constant 14 : i32
      %get3A_1627 = arith.index_cast %get3A_1626 : i32 to index
      %get3A_1628 = arith.constant 144 : index
      %get3A_1629 = tpu.vector_load %arg11[%get3A_1627, %get3A_1628] {strides = array<i32>} : memref<16x256xf32, #tpu.memory_space<vmem>>, vector<16xf32>,
      %mul3A_1630 = arith.mulf %get3A_53, %get3A_1629 : vector<16xf32>
      %add3A_1631 = arith.addf %add3A_1625, %mul3A_1630 : vector<16xf32>
      %get3A_1632 = arith.constant 14 : i32
      %get3A_1633 = arith.index_cast %get3A_1632 : i32 to index
      %get3A_1634 = arith.constant 160 : index
      %get3A_1635 = tpu.vector_load %arg11[%get3A_1633, %get3A_1634] {strides = array<i32>} : memref<16x256xf32, #tpu.memory_space<vmem>>, vector<16xf32>,
      %mul3A_1636 = arith.mulf %get3A_57, %get3A_1635 : vector<16xf32>
      %add3A_1637 = arith.addf %add3A_1631, %mul3A_1636 : vector<16xf32>
      %get3A_1638 = arith.constant 14 : i32
      %get3A_1639 = arith.index_cast %get3A_1638 : i32 to index
      %get3A_1640 = arith.constant 176 : index
      %get3A_1641 = tpu.vector_load %arg11[%get3A_1639, %get3A_1640] {strides = array<i32>} : memref<16x256xf32, #tpu.memory_space<vmem>>, vector<16xf32>,
      %mul3A_1642 = arith.mulf %get3A_61, %get3A_1641 : vector<16xf32>
      %add3A_1643 = arith.addf %add3A_1637, %mul3A_1642 : vector<16xf32>
      %get3A_1644 = arith.constant 14 : i32
      %get3A_1645 = arith.index_cast %get3A_1644 : i32 to index
      %get3A_1646 = arith.constant 192 : index
      %get3A_1647 = tpu.vector_load %arg11[%get3A_1645, %get3A_1646] {strides = array<i32>} : memref<16x256xf32, #tpu.memory_space<vmem>>, vector<16xf32>,
      %mul3A_1648 = arith.mulf %get3A_65, %get3A_1647 : vector<16xf32>
      %add3A_1649 = arith.addf %add3A_1643, %mul3A_1648 : vector<16xf32>
      %get3A_1650 = arith.constant 14 : i32
      %get3A_1651 = arith.index_cast %get3A_1650 : i32 to index
      %get3A_1652 = arith.constant 208 : index
      %get3A_1653 = tpu.vector_load %arg11[%get3A_1651, %get3A_1652] {strides = array<i32>} : memref<16x256xf32, #tpu.memory_space<vmem>>, vector<16xf32>,
      %mul3A_1654 = arith.mulf %get3A_69, %get3A_1653 : vector<16xf32>
      %add3A_1655 = arith.addf %add3A_1649, %mul3A_1654 : vector<16xf32>
      %get3A_1656 = arith.constant 14 : i32
      %get3A_1657 = arith.index_cast %get3A_1656 : i32 to index
      %get3A_1658 = arith.constant 224 : index
      %get3A_1659 = tpu.vector_load %arg11[%get3A_1657, %get3A_1658] {strides = array<i32>} : memref<16x256xf32, #tpu.memory_space<vmem>>, vector<16xf32>,
      %mul3A_1660 = arith.mulf %get3A_73, %get3A_1659 : vector<16xf32>
      %add3A_1661 = arith.addf %add3A_1655, %mul3A_1660 : vector<16xf32>
      %get3A_1662 = arith.constant 14 : i32
      %get3A_1663 = arith.index_cast %get3A_1662 : i32 to index
      %get3A_1664 = arith.constant 240 : index
      %get3A_1665 = tpu.vector_load %arg11[%get3A_1663, %get3A_1664] {strides = array<i32>} : memref<16x256xf32, #tpu.memory_space<vmem>>, vector<16xf32>,
      %mul3A_1666 = arith.mulf %get3A_77, %get3A_1665 : vector<16xf32>
      %add3A_1667 = arith.addf %add3A_1661, %mul3A_1666 : vector<16xf32>
      %reduce_sum3A_1668 = arith.constant true
      %reduce_sum3A_1669 = vector.broadcast %reduce_sum3A_1668 : i1 to vector<16xi1>
      %reduce_sum3A_1670 = tpu.scan <sum>, %add3A_1667 masked %reduce_sum3A_1669 : vector<16xf32>, vector<16xi1> -> vector<16xf32>
      %reduce_sum3A_1671 = vector.extract %reduce_sum3A_1670[15] : f32 from vector<16xf32>
      %eq3A_1672 = arith.constant 14 : i32
      %eq3A_1673 = vector.broadcast %eq3A_1672 : i32 to vector<16xi32>
      %eq3A_1674 = arith.cmpi eq, %iota3A, %eq3A_1673 : vector<16xi32>
      %jit3A_1675 = arith.constant 0.000000e+00 : f32
      %broadcast_in_dim3A_1676 = vector.broadcast %reduce_sum3A_1671 : f32 to vector<16xf32>
      %broadcast_in_dim3A_1677 = vector.broadcast %jit3A_1675 : f32 to vector<16xf32>
      %select_n3A_1678 = arith.select %eq3A_1674, %broadcast_in_dim3A_1676, %broadcast_in_dim3A_1677 : vector<16xi1>, vector<16xf32>
      %add3A_1679 = arith.addf %add3A_1572, %select_n3A_1678 : vector<16xf32>
      %get3A_1680 = arith.constant 15 : i32
      %get3A_1681 = arith.index_cast %get3A_1680 : i32 to index
      %get3A_1682 = arith.constant 0 : index
      %get3A_1683 = tpu.vector_load %arg11[%get3A_1681, %get3A_1682] {strides = array<i32>} : memref<16x256xf32, #tpu.memory_space<vmem>>, vector<16xf32>,
      %mul3A_1684 = arith.mulf %get3A_17, %get3A_1683 : vector<16xf32>
      %get3A_1685 = arith.constant 15 : i32
      %get3A_1686 = arith.index_cast %get3A_1685 : i32 to index
      %get3A_1687 = arith.constant 16 : index
      %get3A_1688 = tpu.vector_load %arg11[%get3A_1686, %get3A_1687] {strides = array<i32>} : memref<16x256xf32, #tpu.memory_space<vmem>>, vector<16xf32>,
      %mul3A_1689 = arith.mulf %get3A_21, %get3A_1688 : vector<16xf32>
      %add3A_1690 = arith.addf %mul3A_1684, %mul3A_1689 : vector<16xf32>
      %get3A_1691 = arith.constant 15 : i32
      %get3A_1692 = arith.index_cast %get3A_1691 : i32 to index
      %get3A_1693 = arith.constant 32 : index
      %get3A_1694 = tpu.vector_load %arg11[%get3A_1692, %get3A_1693] {strides = array<i32>} : memref<16x256xf32, #tpu.memory_space<vmem>>, vector<16xf32>,
      %mul3A_1695 = arith.mulf %get3A_25, %get3A_1694 : vector<16xf32>
      %add3A_1696 = arith.addf %add3A_1690, %mul3A_1695 : vector<16xf32>
      %get3A_1697 = arith.constant 15 : i32
      %get3A_1698 = arith.index_cast %get3A_1697 : i32 to index
      %get3A_1699 = arith.constant 48 : index
      %get3A_1700 = tpu.vector_load %arg11[%get3A_1698, %get3A_1699] {strides = array<i32>} : memref<16x256xf32, #tpu.memory_space<vmem>>, vector<16xf32>,
      %mul3A_1701 = arith.mulf %get3A_29, %get3A_1700 : vector<16xf32>
      %add3A_1702 = arith.addf %add3A_1696, %mul3A_1701 : vector<16xf32>
      %get3A_1703 = arith.constant 15 : i32
      %get3A_1704 = arith.index_cast %get3A_1703 : i32 to index
      %get3A_1705 = arith.constant 64 : index
      %get3A_1706 = tpu.vector_load %arg11[%get3A_1704, %get3A_1705] {strides = array<i32>} : memref<16x256xf32, #tpu.memory_space<vmem>>, vector<16xf32>,
      %mul3A_1707 = arith.mulf %get3A_33, %get3A_1706 : vector<16xf32>
      %add3A_1708 = arith.addf %add3A_1702, %mul3A_1707 : vector<16xf32>
      %get3A_1709 = arith.constant 15 : i32
      %get3A_1710 = arith.index_cast %get3A_1709 : i32 to index
      %get3A_1711 = arith.constant 80 : index
      %get3A_1712 = tpu.vector_load %arg11[%get3A_1710, %get3A_1711] {strides = array<i32>} : memref<16x256xf32, #tpu.memory_space<vmem>>, vector<16xf32>,
      %mul3A_1713 = arith.mulf %get3A_37, %get3A_1712 : vector<16xf32>
      %add3A_1714 = arith.addf %add3A_1708, %mul3A_1713 : vector<16xf32>
      %get3A_1715 = arith.constant 15 : i32
      %get3A_1716 = arith.index_cast %get3A_1715 : i32 to index
      %get3A_1717 = arith.constant 96 : index
      %get3A_1718 = tpu.vector_load %arg11[%get3A_1716, %get3A_1717] {strides = array<i32>} : memref<16x256xf32, #tpu.memory_space<vmem>>, vector<16xf32>,
      %mul3A_1719 = arith.mulf %get3A_41, %get3A_1718 : vector<16xf32>
      %add3A_1720 = arith.addf %add3A_1714, %mul3A_1719 : vector<16xf32>
      %get3A_1721 = arith.constant 15 : i32
      %get3A_1722 = arith.index_cast %get3A_1721 : i32 to index
      %get3A_1723 = arith.constant 112 : index
      %get3A_1724 = tpu.vector_load %arg11[%get3A_1722, %get3A_1723] {strides = array<i32>} : memref<16x256xf32, #tpu.memory_space<vmem>>, vector<16xf32>,
      %mul3A_1725 = arith.mulf %get3A_45, %get3A_1724 : vector<16xf32>
      %add3A_1726 = arith.addf %add3A_1720, %mul3A_1725 : vector<16xf32>
      %get3A_1727 = arith.constant 15 : i32
      %get3A_1728 = arith.index_cast %get3A_1727 : i32 to index
      %get3A_1729 = arith.constant 128 : index
      %get3A_1730 = tpu.vector_load %arg11[%get3A_1728, %get3A_1729] {strides = array<i32>} : memref<16x256xf32, #tpu.memory_space<vmem>>, vector<16xf32>,
      %mul3A_1731 = arith.mulf %get3A_49, %get3A_1730 : vector<16xf32>
      %add3A_1732 = arith.addf %add3A_1726, %mul3A_1731 : vector<16xf32>
      %get3A_1733 = arith.constant 15 : i32
      %get3A_1734 = arith.index_cast %get3A_1733 : i32 to index
      %get3A_1735 = arith.constant 144 : index
      %get3A_1736 = tpu.vector_load %arg11[%get3A_1734, %get3A_1735] {strides = array<i32>} : memref<16x256xf32, #tpu.memory_space<vmem>>, vector<16xf32>,
      %mul3A_1737 = arith.mulf %get3A_53, %get3A_1736 : vector<16xf32>
      %add3A_1738 = arith.addf %add3A_1732, %mul3A_1737 : vector<16xf32>
      %get3A_1739 = arith.constant 15 : i32
      %get3A_1740 = arith.index_cast %get3A_1739 : i32 to index
      %get3A_1741 = arith.constant 160 : index
      %get3A_1742 = tpu.vector_load %arg11[%get3A_1740, %get3A_1741] {strides = array<i32>} : memref<16x256xf32, #tpu.memory_space<vmem>>, vector<16xf32>,
      %mul3A_1743 = arith.mulf %get3A_57, %get3A_1742 : vector<16xf32>
      %add3A_1744 = arith.addf %add3A_1738, %mul3A_1743 : vector<16xf32>
      %get3A_1745 = arith.constant 15 : i32
      %get3A_1746 = arith.index_cast %get3A_1745 : i32 to index
      %get3A_1747 = arith.constant 176 : index
      %get3A_1748 = tpu.vector_load %arg11[%get3A_1746, %get3A_1747] {strides = array<i32>} : memref<16x256xf32, #tpu.memory_space<vmem>>, vector<16xf32>,
      %mul3A_1749 = arith.mulf %get3A_61, %get3A_1748 : vector<16xf32>
      %add3A_1750 = arith.addf %add3A_1744, %mul3A_1749 : vector<16xf32>
      %get3A_1751 = arith.constant 15 : i32
      %get3A_1752 = arith.index_cast %get3A_1751 : i32 to index
      %get3A_1753 = arith.constant 192 : index
      %get3A_1754 = tpu.vector_load %arg11[%get3A_1752, %get3A_1753] {strides = array<i32>} : memref<16x256xf32, #tpu.memory_space<vmem>>, vector<16xf32>,
      %mul3A_1755 = arith.mulf %get3A_65, %get3A_1754 : vector<16xf32>
      %add3A_1756 = arith.addf %add3A_1750, %mul3A_1755 : vector<16xf32>
      %get3A_1757 = arith.constant 15 : i32
      %get3A_1758 = arith.index_cast %get3A_1757 : i32 to index
      %get3A_1759 = arith.constant 208 : index
      %get3A_1760 = tpu.vector_load %arg11[%get3A_1758, %get3A_1759] {strides = array<i32>} : memref<16x256xf32, #tpu.memory_space<vmem>>, vector<16xf32>,
      %mul3A_1761 = arith.mulf %get3A_69, %get3A_1760 : vector<16xf32>
      %add3A_1762 = arith.addf %add3A_1756, %mul3A_1761 : vector<16xf32>
      %get3A_1763 = arith.constant 15 : i32
      %get3A_1764 = arith.index_cast %get3A_1763 : i32 to index
      %get3A_1765 = arith.constant 224 : index
      %get3A_1766 = tpu.vector_load %arg11[%get3A_1764, %get3A_1765] {strides = array<i32>} : memref<16x256xf32, #tpu.memory_space<vmem>>, vector<16xf32>,
      %mul3A_1767 = arith.mulf %get3A_73, %get3A_1766 : vector<16xf32>
      %add3A_1768 = arith.addf %add3A_1762, %mul3A_1767 : vector<16xf32>
      %get3A_1769 = arith.constant 15 : i32
      %get3A_1770 = arith.index_cast %get3A_1769 : i32 to index
      %get3A_1771 = arith.constant 240 : index
      %get3A_1772 = tpu.vector_load %arg11[%get3A_1770, %get3A_1771] {strides = array<i32>} : memref<16x256xf32, #tpu.memory_space<vmem>>, vector<16xf32>,
      %mul3A_1773 = arith.mulf %get3A_77, %get3A_1772 : vector<16xf32>
      %add3A_1774 = arith.addf %add3A_1768, %mul3A_1773 : vector<16xf32>
      %reduce_sum3A_1775 = arith.constant true
      %reduce_sum3A_1776 = vector.broadcast %reduce_sum3A_1775 : i1 to vector<16xi1>
      %reduce_sum3A_1777 = tpu.scan <sum>, %add3A_1774 masked %reduce_sum3A_1776 : vector<16xf32>, vector<16xi1> -> vector<16xf32>
      %reduce_sum3A_1778 = vector.extract %reduce_sum3A_1777[15] : f32 from vector<16xf32>
      %eq3A_1779 = arith.constant 15 : i32
      %eq3A_1780 = vector.broadcast %eq3A_1779 : i32 to vector<16xi32>
      %eq3A_1781 = arith.cmpi eq, %iota3A, %eq3A_1780 : vector<16xi32>
      %jit3A_1782 = arith.constant 0.000000e+00 : f32
      %broadcast_in_dim3A_1783 = vector.broadcast %reduce_sum3A_1778 : f32 to vector<16xf32>
      %broadcast_in_dim3A_1784 = vector.broadcast %jit3A_1782 : f32 to vector<16xf32>
      %select_n3A_1785 = arith.select %eq3A_1781, %broadcast_in_dim3A_1783, %broadcast_in_dim3A_1784 : vector<16xi1>, vector<16xf32>
      %add3A_1786 = arith.addf %add3A_1679, %select_n3A_1785 : vector<16xf32>
      %swap3A = arith.constant 0 : index
      %swap3A_1787 = tpu.vector_load %arg13[%swap3A] {strides = array<i32>} : memref<16xf32, #tpu.memory_space<vmem>>, vector<16xf32>,
      tpu.vector_store %arg13[%swap3A], %add3A_1786 {strides = array<i32>} : memref<16xf32, #tpu.memory_space<vmem>>, vector<16xf32>,
      "tpu.region"() ({
        %run_scoped3A = tpu.sem_alloc : memref<!tpu.dma_semaphore, #tpu.memory_space<semaphore_mem>>
        %dma_start3A_1788 = tpu.memref_slice %arg7[%multiple_of3A] : memref<128xf32, #tpu.memory_space<hbm>> -> memref<16xf32, #tpu.memory_space<hbm>>
        %dma_start3A_1789 = tpu.memref_slice %arg7[%multiple_of3A] : memref<128xf32, #tpu.memory_space<hbm>> -> memref<16xf32, #tpu.memory_space<hbm>>
        tpu.enqueue_dma source(%arg13 : memref<16xf32, #tpu.memory_space<vmem>>) target(%dma_start3A_1789 : memref<16xf32, #tpu.memory_space<hbm>>) target_semaphore(%run_scoped3A : memref<!tpu.dma_semaphore, #tpu.memory_space<semaphore_mem>>)
        %dma_wait3A_1790 = tpu.memref_slice %arg7[%multiple_of3A] : memref<128xf32, #tpu.memory_space<hbm>> -> memref<16xf32, #tpu.memory_space<hbm>>
        %dma_wait3A_1791 = tpu.memref_slice %arg7[%multiple_of3A] : memref<128xf32, #tpu.memory_space<hbm>> -> memref<16xf32, #tpu.memory_space<hbm>>
        tpu.wait_dma2 semaphore(%run_scoped3A : memref<!tpu.dma_semaphore, #tpu.memory_space<semaphore_mem>>) src(%arg13 : memref<16xf32, #tpu.memory_space<vmem>>) dst(%dma_wait3A_1791 : memref<16xf32, #tpu.memory_space<hbm>>)
        tpu.yield
      }) : () -> ()
    } else {
    }
    return
  }
}

</mosaic_0001>

<sc_bundles>
// kernel: _sc_encode.3.cloned.1.call-start
scs
__scs_entry_jumppad:
0x0: {  	(pc) =	sbr.rel $0x88, $3  }
0x1: {  	(tag) =	ssettag $0x0;
	lr =	simm.s32 $0x1  }
0x2: {  	[smem:$0x3F9C] =	sst lr;
	_ =	strace $0xD0000000  }
0x3: {  	_ = 	snop  }
0x4: {  	_ = 	snop  }
0x5: {  	_ = 	snop  }
0x6: {  	_ = 	snop  }
0x7: {  	_ = 	snop  }
__scs_overlays_trampoline_lowered:
0x8: {  	[smem:$0x3FAB] =	sst s0  }
0x9: {  	[smem:$0x3FAC] =	sst s1  }
0xa: {  	[smem:$0x3FAD] =	sst s2  }
0xb: {  	[smem:$0x3FAE] =	sst s3  }
0xc: {  	[smem:$0x3FAF] =	sst s4  }
0xd: {  	[smem:$0x3FB0] =	sst s5  }
0xe: {  	[smem:$0x3FB1] =	sst s6  }
0xf: {  	[smem:$0x3FB2] =	sst s7  }
0x10: {  	[smem:$0x3FB3] =	sst s8  }
0x11: {  	[smem:$0x3FB4] =	sst s9;
	s0 =	simm.s32 @!p0 $0x0  }
0x12: {  	s1 =	sld [smem:$0x3F9A];
	s0 =	simm.s32 @p0 $0x1  }
0x13: {  	[smem:$0x3FB5] =	sst s0;
	s0 =	simm.s32 @!p1 $0x0  }
0x14: {  	s2 =	sld [smem:$0x3F99];
	s0 =	simm.s32 @p1 $0x1  }
0x15: {  	[smem:$0x3FB6] =	sst s0;
	s0 =	simm.s32 @!p2 $0x0  }
0x16: {  	s3 =	sld [smem:$0x3FDB];
	s0 =	simm.s32 @p2 $0x1  }
0x17: {  	s4 =	simm.s32 $0x1BF5;
	[smem:$0x3FB8] =	sst s0  }
0x18: {  	s0 =	sld [smem:$0x3F9B];
	_ =	swait.ge [sflag:s4], $0x0  }
0x19: {  	s7 =	sld [smem:$0x3F9C]  }
0x1a: {  	s8 =	sadd.s32 $0xFFFFE003, lr  }
0x1b: {  	s9 =	sadd.s32 $0xFFFFFEF7, lr;
	s5 =	simm.s32 $0xFFFFFFFF;
	p2 =	slt.u32 s8, $0xFFFFF086  }
0x1c: {  	p1 =	slt.u32 s9, $0xF7A;
	s5 =	simm.s32 @!p2 $0x0  }
0x1d: {  	s5 =	simm.s32 @p1 $0x1;
	p0 =	seq.s32 s7, s2  }
0x1e: {  	s7 =	smul.u32 @!p0 $0xF7A, s2;
	p2 =	seq.s32 @!p0 s5, $0x0  }
0x1f: {  	s9 =	smul.u32 $0xF7A, s1;
	s8 =	simm.s32 @!p0 $0x1BF5;
	p2 =	por !p2, p0  }
0x20: {  	[sflag:s8] =	ssyncset.s32 @!p0 $0xFFFFF086;
	s6 =	sadd.s32 @!p0 s3, s7;
	s7 =	simm.s32 @!p0 $0x108  }
0x21: {  	s3 =	sadd.s32 s3, s9;
	s6 =	sadd.s32 @!p0 $0x88, s6;
	s7 =	simm.s32 @p2 $0x1082  }
0x22: {  	[simem:s7], [sflag:s8] =	dma.local @!p0 [hbm:s6], $0xF7A  }
0x23: {  	s9 =	sor.u32 $0xD0000000, s2;
	s6 =	simm.s32 $0x108;
	_ =	swait.ge @!p0 [sflag:s8], $0x0  }
0x24: {  	s3 =	sadd.s32 $0x88, s3;
	s6 =	simm.s32 @!p1 $0x1082;
	[sflag:s4] =	ssyncset.s32 $0xFFFFF086  }
0x25: {  	[simem:s6], [sflag:s4] =	dma.local [hbm:s3], $0xF7A  }
0x26: {  	[smem:$0x3F9C] =	sst s1;
	(tag) =	ssettag s2;
	_ =	strace s9  }
0x27: {  	s1 =	sld [smem:$0x3FAC]  }
0x28: {  	s2 =	sld [smem:$0x3FAD]  }
0x29: {  	s4 =	sld [smem:$0x3FAF]  }
0x2a: {  	p0 =	seq.s32 s5, $0x0;
	s5 =	sld [smem:$0x3FB0]  }
0x2b: {  	s6 =	sld [smem:$0x3FB1]  }
0x2c: {  	s7 =	sld [smem:$0x3FB2]  }
0x2d: {  	s3 =	simm.s32 $0x108;
	s8 =	sld [smem:$0x3FB3]  }
0x2e: {  	s3 =	simm.s32 @!p0 $0x1082;
	s9 =	sld [smem:$0x3FB4]  }
0x2f: {  	lr =	sadd.s32 s0, s3;
	s0 =	sld [smem:$0x3FAB]  }
0x30: {  	s3 =	sld [smem:$0x3FAE]  }
0x31: {  	[smem:$0x3FB7] =	sst s10  }
0x32: {  	s10 =	sld [smem:$0x3FB5];
	_ =	sdelay $0x3  }
0x33: {  	p0 =	seq.s32 s10, $0x1;
	s10 =	sld [smem:$0x3FB7];
	_ =	sdelay $0x3  }
0x34: {  	[smem:$0x3FB7] =	sst s10  }
0x35: {  	s10 =	sld [smem:$0x3FB6];
	_ =	sdelay $0x3  }
0x36: {  	p1 =	seq.s32 s10, $0x1;
	s10 =	sld [smem:$0x3FB7];
	_ =	sdelay $0x3  }
0x37: {  	[smem:$0x3FB7] =	sst s10  }
0x38: {  	s10 =	sld [smem:$0x3FB8]  }
0x39: {  	_ = 	snop;
	(pc) =	sbr.ind lr, $3  }
0x3a: {  	_ = 	snop  }
0x3b: {  	_ = 	snop  }
0x3c: {  	p2 =	seq.s32 s10, $0x1;
	s10 =	sld [smem:$0x3FB7]  }
0x3d: {  	_ =	shalt  }
0x3e: {  	_ =	shalt  }
0x3f: {  	_ =	shalt  }
0x40: {  	_ =	shalt  }
0x41: {  	_ =	shalt  }
0x42: {  	_ =	shalt  }
0x43: {  	_ =	shalt  }
0x44: {  	_ =	shalt  }
0x45: {  	_ =	shalt  }
0x46: {  	_ =	shalt  }
0x47: {  	_ =	shalt  }
0x48: {  	_ =	shalt  }
0x49: {  	_ =	shalt  }
0x4a: {  	_ =	shalt  }
0x4b: {  	_ =	shalt  }
0x4c: {  	_ =	shalt  }
0x4d: {  	_ =	shalt  }
0x4e: {  	_ =	shalt  }
0x4f: {  	_ =	shalt  }
0x50: {  	_ =	shalt  }
0x51: {  	_ =	shalt  }
0x52: {  	_ =	shalt  }
0x53: {  	_ =	shalt  }
0x54: {  	_ =	shalt  }
0x55: {  	_ =	shalt  }
0x56: {  	_ =	shalt  }
0x57: {  	_ =	shalt  }
0x58: {  	_ =	shalt  }
0x59: {  	_ =	shalt  }
0x5a: {  	_ =	shalt  }
0x5b: {  	_ =	shalt  }
0x5c: {  	_ =	shalt  }
0x5d: {  	_ =	shalt  }
0x5e: {  	_ =	shalt  }
0x5f: {  	_ =	shalt  }
0x60: {  	_ =	shalt  }
0x61: {  	_ =	shalt  }
0x62: {  	_ =	shalt  }
0x63: {  	_ =	shalt  }
0x64: {  	_ =	shalt  }
0x65: {  	_ =	shalt  }
0x66: {  	_ =	shalt  }
0x67: {  	_ =	shalt  }
0x68: {  	_ =	shalt  }
0x69: {  	_ =	shalt  }
0x6a: {  	_ =	shalt  }
0x6b: {  	_ =	shalt  }
0x6c: {  	_ =	shalt  }
0x6d: {  	_ =	shalt  }
0x6e: {  	_ =	shalt  }
0x6f: {  	_ =	shalt  }
0x70: {  	_ =	shalt  }
0x71: {  	_ =	shalt  }
0x72: {  	_ =	shalt  }
0x73: {  	_ =	shalt  }
0x74: {  	_ =	shalt  }
0x75: {  	_ =	shalt  }
0x76: {  	_ =	shalt  }
0x77: {  	_ =	shalt  }
0x78: {  	_ =	shalt  }
0x79: {  	_ =	shalt  }
0x7a: {  	_ =	shalt  }
0x7b: {  	_ =	shalt  }
0x7c: {  	_ =	shalt  }
0x7d: {  	_ =	shalt  }
0x7e: {  	_ =	shalt  }
0x7f: {  	_ =	shalt  }
0x80: {  	_ =	shalt  }
0x81: {  	_ =	shalt  }
0x82: {  	_ =	shalt  }
0x83: {  	_ =	shalt  }
0x84: {  	_ =	shalt  }
0x85: {  	_ =	shalt  }
0x86: {  	_ =	shalt  }
0x87: {  	_ =	shalt  }
.Lfunc_end0:
.L_simem_size_0:
called_computation_lowered:
.L_overlay_start_0:
0x88: {  	s2 =	sld [smem:$0x3FD9]  }
0x89: {  	s3 =	sld [smem:$0x3FFE];
	_ =	sdelay $0x1  }
0x8a: {  	s1 =	srdreg.scid  }
0x8b: {  	s0 =	sand.u32 $0x1, s1  }
0x8c: {  	s18 =	sshll.u32 s0, $0xA;
	s2 =	sadd.s32 s3, s2  }
0x8d: {  	s2 =	sadd.s32 s2, s18  }
0x8e: {  	[smem:$0x3FC3] =	sst s2  }
0x8f: {  	_ = 	snop  }
0x90: {  	s2 =	sld [smem:$0x3FC9]  }
0x91: {  	s19 =	sld [smem:$0x3FC8]  }
0x92: {  	s4 =	sld [smem:$0x3FC7]  }
0x93: {  	s5 =	sld [smem:$0x3FC6]  }
0x94: {  	s6 =	sld [smem:$0x3FC5]  }
0x95: {  	s7 =	sld [smem:$0x3FD0];
	(tm) =	ssettm $0x1  }
0x96: {  	s8 =	sld [smem:$0x3FFB];
	_ =	sdelay $0x3  }
0x97: {  	_ =	strace s8  }
0x98: {  	s8 =	sld [smem:$0x3FFC];
	_ =	sdelay $0x3  }
0x99: {  	_ =	strace s8  }
0x9a: {  	s8 =	sld [smem:$0x3FFD];
	_ =	sdelay $0x3  }
0x9b: {  	_ =	strace s8  }
0x9c: {  	_ =	strace $0x8FFFFFFF  }
0x9d: {  	s20 =	sld [smem:$0x3FDB];
	_ =	sdelay $0x1  }
0x9e: {  	s9 =	simm.s32 $_scs_section_size  }
0x9f: {  	s10 =	simm.s32 $_size__tile_overlayer_lowered;
	s11 =	simm.s32 $_tile_overlayer_lowered  }
0xa0: {  	s23 =	simm.s32 $0x1BFF;
	s22 =	sshll.u32 s11, $0x1;
	s8 =	sadd.s32 s9, s20  }
0xa1: {  	s12 =	simm.s32 $0x0;
	s21 =	sshll.u32 s10, $0x1;
	s10 =	sadd.s32 s22, s8  }
0xa2: {  	[timem:s12], [sflag:s23] =	dma.local [hbm:s10], s21  }
0xa3: {  	_ =	swait.ge [sflag:s23], s21  }
0xa4: {  	s9 =	ssub.s32 $0x0, s21;
	[sflag:s23] =	ssyncset.done $0x0  }
0xa5: {  	[sflag:s23] =	ssyncadd.s32 s9;
	_ =	sdelay $0x1  }
0xa6: {  	s24 =	simm.s32 $0x1B8B  }
0xa7: {  	_ =	swait.ge [sflag:s24], $0x1  }
0xa8: {  	[sflag:s24] =	ssyncset.done $0x0  }
0xa9: {  	s25 =	simm.s32 $0x1B8E;
	[sflag:s24] =	ssyncadd.s32 $0xFFFFFFFF  }
0xaa: {  	s26 =	simm.s32 $execute0_lowered;
	[smem:$0x3FD2] =	sst s25  }
0xab: {  	s9 =	sshll.u32 s26, $0x1;
	_ =	strace $0x80000046;
	[dreg:$0x1] =	wrdreg $0xFFFFFFFF  }
0xac: {  	s28 =	simm.s32 $_size_execute0_lowered;
	s8 =	sadd.s32 s8, s9;
	[dreg:$0x0] =	wrdreg $0x0  }
0xad: {  	s9 =	sshll.u32 s28, $0x1;
	[dreg:$0x2] =	wrdreg s8  }
0xae: {  	[dreg:$0x3] =	wrdreg s9  }
0xaf: {  	[dreg:$0x4] =	wrdreg $0xC0  }
0xb0: {  	_ =	task [dreg:s12], $0x5FFFF  }
0xb1: {  	[dreg:$0x1] =	wrdreg $0xFFFFFFFF  }
0xb2: {  	[dreg:$0x0] =	wrdreg $0x60  }
0xb3: {  	[dreg:$0x2] =	wrdreg s2  }
0xb4: {  	[dreg:$0x3] =	wrdreg s19  }
0xb5: {  	[dreg:$0x4] =	wrdreg s4  }
0xb6: {  	[dreg:$0x5] =	wrdreg s5  }
0xb7: {  	[dreg:$0x6] =	wrdreg s6  }
0xb8: {  	[dreg:$0x7] =	wrdreg s7  }
0xb9: {  	[dreg:$0x8] =	wrdreg $0x9  }
0xba: {  	_ =	task.clear_ibuf [dreg:s12], $0x9FFFF;
	_ =	strace $0x90000046  }
0xbb: {  	s29 =	simm.s32 $0x9;
	_ =	strace $0x80000048  }
0xbc: {  	_ =	swait.ge [sflag:s29], $0x1  }
0xbd: {  	[sflag:s29] =	ssyncadd.s32 $0xFFFFFFFF  }
0xbe: {  	_ =	strace $0x90000048  }
0xbf: {  	_ =	sfence  }
0xc0: {  	s30 =	sld [smem:$0x0];
	_ =	sdelay $0x2  }
0xc1: {  	s31 =	sshll.u32 s1, $0xD;
	s1 =	sshrl.u32 s1, $0x2  }
0xc2: {  	s3 =	sand.u32 $0x4000, s31;
	s1 =	sadd.s32 s1, s30  }
0xc3: {  	s0 =	sor.u32 s3, s0;
	s1 =	sshll.u32 s1, $0x11  }
0xc4: {  	s0 =	sor.u32 s1, s0  }
0xc5: {  	s0 =	sadd.s32 $0x8F2B, s0  }
0xc6: {  	[sflag:s0] =	ssyncadd.remote.s32 $0x1  }
0xc7: {  	_ =	sfence.sel $0xFFFF  }
0xc8: {  	[dreg:$0x0] =	wrdreg $0xFFFFFFFF;
	(pc) =	sbr.abs _section_cstart, $3  }
0xc9: {  	[dreg:$0x1] =	wrdreg $0xFFFFFFFF  }
0xca: {  	_ =	task.clear_ibuf [dreg:s12], $0x2FFFF;
	_ =	strace $0x9FFFFFFF  }
0xcb: {  	(tm) =	ssettm $0x7FFFFFFF  }
tec
execute0_lowered:
.L_overlay_start_1:
0x0: {  	(tag) =	ssettag $0x1  }
0x1: {  	s1 =	rddreg [dreg:$0x0]  }
0x2: {  	s2 =	rddreg [dreg:$0x1];
	s4 =	stileid.u32  }
0x3: {  	s3 =	rddreg [dreg:$0x2];
	p0 =	sgt.u32 s4, $0x3  }
.Ltmp0:
0x4: {  	s6 =	rddreg [dreg:$0x3];
	(pc) =	sbr.rel @p0 .LBB2_3-.Ltmp0, $4  }
0x5: {  	s7 =	rddreg [dreg:$0x4]  }
0x6: {  	s8 =	rddreg [dreg:$0x5];
	s5 =	simm.s32 $0x0  }
0x7: {  	[smem:$0x7FF] =	sst s5  }
0x8: {  	s0 =	rddreg [dreg:$0x6];
	_ =	strace $0x80000047  }
0x9: {  	s9 =	srdreg.scid;
	s10 =	sshll.u32 s4, $0x1;
	s12 =	simm.s32 $0x80  }
0xa: {  	vm0 =	vmmov $0x1;
	s13 =	simm.s32 $0x180;
	s14 =	simm.s32 $0x280;
	s9 =	sand.u32 $0x1, s9  }
0xb: {  	vm1 =	vcmask $0x704;
	vm2 =	vcmask $0xB08;
	vm3 =	vcmask $0xF0C;
	s15 =	simm.s32 $0x1280;
	s16 =	simm.s32 $0x1;
	s10 =	sor.u32 s9, s10  }
0xc: {  	vm4 =	vcmask $0x1310;
	vm5 =	vcmask $0x1714;
	vm6 =	vcmask $0x1B18;
	s17 =	simm.s32 $0x1300;
	s9 =	ssub.s32 $0x2, s9;
	s11 =	sshll.u32 s10, $0x9  }
0xd: {  	vm7 =	vcmask $0x1F1C;
	vm8 =	vcmask $0x2320;
	vm9 =	vcmask $0x2724;
	s10 =	sshll.u32 s10, $0x1;
	s31 =	sshrl.u32 s9, $0x1;
	s6 =	sadd.s32 s6, s11  }
0xe: {  	vm10 =	vcmask $0x2B28;
	vm11 =	vcmask $0x2F2C;
	vm12 =	vcmask $0x3330;
	s7 =	sadd.s32 s7, s10;
	s8 =	sadd.s32 s8, s10;
	s9 =	ssub.s32 s9, s31  }
0xf: {  	vm13 =	vcmask $0x3734;
	vm14 =	vcmask $0x3B38;
	vm15 =	vmmov $0x7fff;
	s10 =	simm.s32 $0x3;
	s11 =	simm.s32 $0x2;
	s9 =	smax.u32 s9, $0x1  }
.LBB2_2:
0x10: {  	[tilespmem:s5], [sflag:$0x3] =	stream.linear.gather [hbm4b:s1+s5], $0x80, $0x38;
	[tilespmem:$0x1380] =	vst v63  }
0x11: {  	_ =	swait.ge [sflag:s10], $0x80  }
0x12: {  	[sflag:s10] =	ssyncset.done $0x0  }
0x13: {  	[sflag:s10] =	ssyncadd.s32 $0xFFFFFF80  }
0x14: {  	[tilespmem:s12], [sflag:$0x1] =	stream.indirect.gather [hbm4b:s2+s11], $0x80, s5, s11, $0xb8;
	[tilespmem:$0x1380] =	vst v63  }
0x15: {  	_ = 	snop  }
0x16: {  	[tilespmem:s13], [sflag:$0x2] =	stream.indirect.gather [hbm4b:s3+s11], $0x80, s5, s11, $0xb8;
	[tilespmem:$0x1380] =	vst v63  }
0x17: {  	_ = 	snop  }
0x18: {  	[tilespmem:s14], [sflag:$0x3] =	stream.linear.gather [hbm4b:s6+s5], $0x1000, $0x38;
	[tilespmem:$0x1380] =	vst v63  }
0x19: {  	_ =	swait.ge [sflag:s10], $0x1000  }
0x1a: {  	[sflag:s10] =	ssyncset.done $0x0  }
0x1b: {  	[sflag:s10] =	ssyncadd.s32 $0xFFFFF000  }
0x1c: {  	[tilespmem:s15], [sflag:$0x3] =	stream.linear.gather [hbm4b:s7+s5], $0x10, $0x38;
	[tilespmem:$0x1380] =	vst v63  }
0x1d: {  	_ =	swait.ge [sflag:s10], $0x10  }
0x1e: {  	[sflag:s10] =	ssyncset.done $0x0  }
0x1f: {  	[sflag:s10] =	ssyncadd.s32 $0xFFFFFFF0  }
0x20: {  	_ =	swait.ge [sflag:s16], $0x100  }
0x21: {  	[sflag:s16] =	ssyncset.done $0x0  }
0x22: {  	[sflag:s16] =	ssyncadd.s32 $0xFFFFFF00  }
0x23: {  	_ =	swait.ge [sflag:s11], $0x100  }
0x24: {  	[sflag:s11] =	ssyncset.done $0x0  }
0x25: {  	[sflag:s11] =	ssyncadd.s32 $0xFFFFFF00  }
0x26: {  	v15 =	vld [tilespmem:$0x100]  }
0x27: {  	v14 =	vld [tilespmem:$0x110]  }
0x28: {  	v13 =	vld [tilespmem:$0x120]  }
0x29: {  	v12 =	vld [tilespmem:$0x130]  }
0x2a: {  	v11 =	vld [tilespmem:$0x140]  }
0x2b: {  	v10 =	vld [tilespmem:$0x150]  }
0x2c: {  	v9 =	vld [tilespmem:$0x160]  }
0x2d: {  	v8 =	vld [tilespmem:$0x170]  }
0x2e: {  	v7 =	vld [tilespmem:$0x180]  }
0x2f: {  	v6 =	vld [tilespmem:$0x190]  }
0x30: {  	v5 =	vld [tilespmem:$0x1A0]  }
0x31: {  	v4 =	vld [tilespmem:$0x1B0]  }
0x32: {  	v16 =	vld [tilespmem:$0x1C0]  }
0x33: {  	v17 =	vld [tilespmem:$0x1D0]  }
0x34: {  	v18 =	vld [tilespmem:$0x1E0]  }
0x35: {  	v25 =	vld [tilespmem:$0x1F0]  }
0x36: {  	v0 =	vld [tilespmem:$0x1280]  }
0x37: {  	v23 =	vld [tilespmem:$0x280]  }
0x38: {  	v28 =	vld [tilespmem:$0x2A0]  }
0x39: {  	v32 =	vld [tilespmem:$0x2B0]  }
0x3a: {  	v39 =	vld [tilespmem:$0x2C0]  }
0x3b: {  	v44 =	vld [tilespmem:$0x2D0]  }
0x3c: {  	v47 =	vld [tilespmem:$0x2E0]  }
0x3d: {  	v49 =	vld [tilespmem:$0x2F0]  }
0x3e: {  	v56 =	vld [tilespmem:$0x680]  }
0x3f: {  	v61 =	vld [tilespmem:$0x690]  }
0x40: {  	v1 =	vld [tilespmem:$0x6E0]  }
0x41: {  	v36 =	vld [tilespmem:$0x6A0]  }
0x42: {  	v52 =	vld [tilespmem:$0x6B0]  }
0x43: {  	v48 =	vld [tilespmem:$0x6C0]  }
0x44: {  	v57 =	vld [tilespmem:$0x6D0]  }
0x45: {  	[tilespmem:$0x1FC00] =	vst v1;
	v1 =	vld [tilespmem:$0x4A0]  }
0x46: {  	v62 =	vld [tilespmem:$0x6F0]  }
0x47: {  	v37 =	vld [tilespmem:$0x300]  }
0x48: {  	v46 =	vld [tilespmem:$0x310]  }
0x49: {  	v55 =	vld [tilespmem:$0x320]  }
0x4a: {  	[tilespmem:$0x1FCB0] =	vst v1;
	v1 =	vld [tilespmem:$0x4B0]  }
0x4b: {  	v58 =	vld [tilespmem:$0x330]  }
0x4c: {  	v59 =	vld [tilespmem:$0x340]  }
0x4d: {  	v19 =	vld [tilespmem:$0x350]  }
0x4e: {  	v20 =	vld [tilespmem:$0x360]  }
0x4f: {  	[tilespmem:$0x1FCD0] =	vst v1;
	v1 =	vld [tilespmem:$0x4C0]  }
0x50: {  	v21 =	vld [tilespmem:$0x370]  }
0x51: {  	v22 =	vld [tilespmem:$0x700]  }
0x52: {  	v30 =	vld [tilespmem:$0x710]  }
0x53: {  	v34 =	vld [tilespmem:$0x720]  }
0x54: {  	[tilespmem:$0x1FCE0] =	vst v1;
	v1 =	vld [tilespmem:$0x4D0]  }
0x55: {  	v41 =	vld [tilespmem:$0x730]  }
0x56: {  	v51 =	vld [tilespmem:$0x740]  }
0x57: {  	v63 =	vld [tilespmem:$0x750]  }
0x58: {  	v24 =	vld [tilespmem:$0x760]  }
0x59: {  	[tilespmem:$0x1FD10] =	vst v1;
	v1 =	vld [tilespmem:$0x4E0]  }
0x5a: {  	v26 =	vld [tilespmem:$0x770]  }
0x5b: {  	v31 =	vld [tilespmem:$0x3A0]  }
0x5c: {  	v35 =	vld [tilespmem:$0x3B0]  }
0x5d: {  	v40 =	vld [tilespmem:$0x3C0]  }
0x5e: {  	[tilespmem:$0x1FD20] =	vst v1;
	v1 =	vld [tilespmem:$0x4F0]  }
0x5f: {  	v43 =	vld [tilespmem:$0x3D0]  }
0x60: {  	v50 =	vld [tilespmem:$0x3E0]  }
0x61: {  	v54 =	vld [tilespmem:$0x3F0]  }
0x62: {  	v27 =	vld [tilespmem:$0x780]  }
0x63: {  	[tilespmem:$0x1FD50] =	vst v1;
	v1 =	vld [tilespmem:$0x880]  }
0x64: {  	v29 =	vld [tilespmem:$0x790]  }
0x65: {  	v33 =	vld [tilespmem:$0x7A0]  }
0x66: {  	v38 =	vld [tilespmem:$0x7B0]  }
0x67: {  	v42 =	vld [tilespmem:$0x7C0]  }
0x68: {  	[tilespmem:$0x1FD60] =	vst v1;
	v1 =	vld [tilespmem:$0x890]  }
0x69: {  	v45 =	vld [tilespmem:$0x7D0]  }
0x6a: {  	v53 =	vld [tilespmem:$0x7E0]  }
0x6b: {  	v60 =	vld [tilespmem:$0x7F0]  }
0x6c: {  	v3 =	vld [tilespmem:$0x500]  }
0x6d: {  	[tilespmem:$0x1FD90] =	vst v1;
	v1 =	vld [tilespmem:$0x8A0]  }
0x6e: {  	[tilespmem:$0x1FEC0] =	vst v0;
	v0 =	vld [tilespmem:$0x290]  }
0x6f: {  	[tilespmem:$0x1FC60] =	vst v26;
	v26 =	vld [tilespmem:$0x380]  }
0x70: {  	[tilespmem:$0x1FC40] =	vst v24;
	v24 =	vld [tilespmem:$0x390]  }
0x71: {  	[tilespmem:$0x1FC50] =	vst v29;
	v29 =	vld [tilespmem:$0x400]  }
0x72: {  	v37 =	vmul.f32 v37, v15;
	v46 =	vmul.f32 v46, v14;
	[tilespmem:$0x1FDA0] =	vst v1;
	v1 =	vld [tilespmem:$0x8B0]  }
0x73: {  	[tilespmem:$0x1FC20] =	vst v27;
	v27 =	vld [tilespmem:$0x410]  }
0x74: {  	[tilespmem:$0x1FC70] =	vst v33;
	v33 =	vld [tilespmem:$0x420];
	v55 =	vmul.f32 v55, v13;
	v46 =	vadd.f32 v46, v37  }
0x75: {  	[tilespmem:$0x1FCA0] =	vst v38;
	v38 =	vld [tilespmem:$0x430]  }
0x76: {  	[tilespmem:$0x1FCF0] =	vst v42;
	v42 =	vld [tilespmem:$0x440];
	v46 =	vadd.f32 v55, v46;
	v55 =	vmul.f32 v58, v12  }
0x77: {  	[tilespmem:$0x1FDE0] =	vst v1;
	v1 =	vld [tilespmem:$0x8C0]  }
0x78: {  	v2 =	vadd.f32 v55, v46;
	v55 =	vld [tilespmem:$0x910]  }
0x79: {  	[tilespmem:$0x1FD30] =	vst v45;
	v45 =	vld [tilespmem:$0x450]  }
0x7a: {  	[tilespmem:$0x1FC30] =	vst v62;
	v62 =	vld [tilespmem:$0x800]  }
0x7b: {  	[tilespmem:$0x1FC10] =	vst v63;
	v63 =	vld [tilespmem:$0x810]  }
0x7c: {  	[tilespmem:$0x1FDF0] =	vst v1;
	v1 =	vld [tilespmem:$0x8D0]  }
0x7d: {  	[tilespmem:$0x1FDC0] =	vst v55;
	v55 =	vld [tilespmem:$0x930]  }
0x7e: {  	[tilespmem:$0x1FD70] =	vst v53;
	v53 =	vld [tilespmem:$0x460]  }
0x7f: {  	[tilespmem:$0x1FC80] =	vst v62;
	v62 =	vld [tilespmem:$0x820]  }
0x80: {  	[tilespmem:$0x1FC90] =	vst v63;
	v63 =	vld [tilespmem:$0x830]  }
0x81: {  	[tilespmem:$0x1FE20] =	vst v1;
	v1 =	vld [tilespmem:$0x8E0]  }
0x82: {  	[tilespmem:$0x1FE10] =	vst v55;
	v55 =	vld [tilespmem:$0x940]  }
0x83: {  	[tilespmem:$0x1FDB0] =	vst v60;
	v60 =	vld [tilespmem:$0x470]  }
0x84: {  	[tilespmem:$0x1FCC0] =	vst v62;
	v62 =	vld [tilespmem:$0x840]  }
0x85: {  	[tilespmem:$0x1FD00] =	vst v63;
	v63 =	vld [tilespmem:$0x850]  }
0x86: {  	v59 =	vmul.f32 v59, v11;
	[tilespmem:$0x1FE40] =	vst v1;
	v1 =	vld [tilespmem:$0x8F0]  }
0x87: {  	[tilespmem:$0x1FE30] =	vst v55;
	v55 =	vld [tilespmem:$0x960]  }
0x88: {  	v19 =	vmul.f32 v19, v10;
	v37 =	vld [tilespmem:$0x540];
	v2 =	vadd.f32 v59, v2  }
0x89: {  	v23 =	vmul.f32 v23, v15;
	v58 =	vld [tilespmem:$0x560];
	v0 =	vmul.f32 v0, v14;
	[tilespmem:$0x1FD40] =	vst v62  }
0x8a: {  	v46 =	vld [tilespmem:$0x900];
	v2 =	vadd.f32 v19, v2;
	v19 =	vmul.f32 v30, v6;
	v30 =	vmul.f32 v26, v15;
	[tilespmem:$0x1FD80] =	vst v63  }
0x8b: {  	v26 =	vmul.f32 v34, v5;
	v63 =	vld [tilespmem:$0x870];
	[tilespmem:$0x1FE60] =	vst v1;
	v1 =	vadd.f32 v0, v23;
	v0 =	vmul.f32 v28, v13  }
0x8c: {  	v62 =	vld [tilespmem:$0x860];
	[tilespmem:$0x1FE70] =	vst v55;
	v55 =	vmul.f32 v35, v12;
	v35 =	vmul.f32 v40, v11  }
0x8d: {  	v40 =	vmul.f32 v57, v17;
	v57 =	vld [tilespmem:$0x9B0];
	v0 =	vadd.f32 v0, v1;
	v1 =	vmul.f32 v32, v12  }
0x8e: {  	v59 =	vld [tilespmem:$0x920];
	v34 =	vmul.f32 v48, v16;
	v48 =	vmul.f32 v41, v4  }
0x8f: {  	v41 =	vmul.f32 v33, v13;
	v33 =	vld [tilespmem:$0x1FC00];
	v0 =	vadd.f32 v1, v0;
	v1 =	vmul.f32 v39, v11  }
0x90: {  	[tilespmem:$0x1FE00] =	vst v63;
	v63 =	vld [tilespmem:$0x480]  }
0x91: {  	[tilespmem:$0x1FDD0] =	vst v62;
	v62 =	vld [tilespmem:$0x490];
	v0 =	vadd.f32 v1, v0;
	v1 =	vmul.f32 v44, v10  }
0x92: {  	[tilespmem:$0x1FF00] =	vst v57;
	v57 =	vld [tilespmem:$0x600]  }
0x93: {  	v23 =	vld [tilespmem:$0x510];
	v0 =	vadd.f32 v1, v0;
	v1 =	vmul.f32 v47, v9  }
0x94: {  	v28 =	vld [tilespmem:$0x520]  }
0x95: {  	v47 =	vld [tilespmem:$0x950];
	v0 =	vadd.f32 v1, v0;
	v1 =	vmul.f32 v49, v8;
	v49 =	vmul.f32 v20, v9  }
0x96: {  	v32 =	vld [tilespmem:$0x530]  }
0x97: {  	v56 =	vmul.f32 v56, v7;
	v39 =	vld [tilespmem:$0x550];
	v2 =	vadd.f32 v49, v2;
	v49 =	vmul.f32 v21, v8  }
0x98: {  	v44 =	vld [tilespmem:$0x570];
	v21 =	vmul.f32 v22, v7;
	v22 =	vmul.f32 v36, v5  }
0x99: {  	v0 =	vadd.f32 v1, v0;
	v36 =	vmul.f32 v24, v14;
	v24 =	vmul.f32 v52, v4;
	v52 =	vld [tilespmem:$0x5C0]  }
0x9a: {  	[tilespmem:$0x1FE50] =	vst v47;
	v47 =	vld [tilespmem:$0x590]  }
0x9b: {  	v0 =	vadd.f32 v56, v0;
	v56 =	vmul.f32 v61, v6;
	v61 =	vld [tilespmem:$0x970]  }
0x9c: {  	v2 =	vadd.f32 v49, v2;
	v49 =	vld [tilespmem:$0x580]  }
0x9d: {  	v1 =	vadd.f32 v36, v30;
	v30 =	vmul.f32 v31, v13;
	v31 =	vld [tilespmem:$0x5D0]  }
0x9e: {  	v36 =	vld [tilespmem:$0x5E0]  }
0x9f: {  	v0 =	vadd.f32 v56, v0;
	v56 =	vld [tilespmem:$0x5B0]  }
0xa0: {  	v1 =	vadd.f32 v30, v1;
	v30 =	vmul.f32 v29, v15;
	v29 =	vld [tilespmem:$0x9C0]  }
0xa1: {  	v2 =	vadd.f32 v21, v2;
	v0 =	vadd.f32 v22, v0;
	v22 =	vld [tilespmem:$0x640];
	[tilespmem:$0x1FE90] =	vst v61  }
0xa2: {  	v61 =	vld [tilespmem:$0x5A0];
	[tilespmem:$0x1FE80] =	vst v31  }
0xa3: {  	v2 =	vadd.f32 v19, v2;
	[tilespmem:$0x1FEA0] =	vst v36;
	v31 =	vmul.f32 v27, v14;
	v36 =	vld [tilespmem:$0x990]  }
0xa4: {  	v1 =	vadd.f32 v55, v1;
	v27 =	vmul.f32 v38, v12;
	v38 =	vmul.f32 v54, v8;
	v54 =	vld [tilespmem:$0x1FC50]  }
0xa5: {  	v2 =	vadd.f32 v26, v2;
	v26 =	vld [tilespmem:$0x5F0]  }
0xa6: {  	v1 =	vadd.f32 v35, v1;
	v35 =	vld [tilespmem:$0x9E0]  }
0xa7: {  	v0 =	vadd.f32 v24, v0;
	v24 =	vld [tilespmem:$0x650]  }
0xa8: {  	v19 =	vadd.f32 v31, v30;
	v31 =	vld [tilespmem:$0x9D0]  }
0xa9: {  	v0 =	vadd.f32 v34, v0;
	v34 =	vld [tilespmem:$0x980]  }
0xaa: {  	v2 =	vadd.f32 v48, v2;
	v48 =	vld [tilespmem:$0x9A0]  }
0xab: {  	v19 =	vadd.f32 v41, v19;
	v41 =	vmul.f32 v45, v10;
	v45 =	vld [tilespmem:$0x1FC30]  }
0xac: {  	v51 =	vmul.f32 v51, v16;
	v55 =	vmul.f32 v43, v10;
	[tilespmem:$0x1FEE0] =	vst v36;
	v36 =	vld [tilespmem:$0x1FC10]  }
0xad: {  	v0 =	vadd.f32 v40, v0;
	v40 =	vld [tilespmem:$0x9F0]  }
0xae: {  	v30 =	vmul.f32 v50, v9;
	v1 =	vadd.f32 v55, v1;
	v2 =	vadd.f32 v51, v2;
	v51 =	vld [tilespmem:$0x1FC40]  }
0xaf: {  	[tilespmem:$0x1FEB0] =	vst v26;
	v26 =	vld [tilespmem:$0x610]  }
0xb0: {  	v1 =	vadd.f32 v30, v1;
	v19 =	vadd.f32 v27, v19;
	v27 =	vld [tilespmem:$0x630]  }
0xb1: {  	[tilespmem:$0x1FF60] =	vst v35;
	v35 =	vmul.f32 v60, v8;
	v60 =	vld [tilespmem:$0x1FCC0]  }
0xb2: {  	v1 =	vadd.f32 v38, v1;
	v38 =	vld [tilespmem:$0x1FC70]  }
0xb3: {  	[tilespmem:$0x1FF40] =	vst v31;
	v31 =	vld [tilespmem:$0xA00]  }
0xb4: {  	v21 =	vmul.f32 v33, v18;
	[tilespmem:$0x1FED0] =	vst v34;
	v34 =	vmul.f32 v42, v11;
	v42 =	vld [tilespmem:$0x1FC20]  }
0xb5: {  	[tilespmem:$0x1FEF0] =	vst v48;
	v20 =	vmul.f32 v36, v17;
	v36 =	vld [tilespmem:$0x1FC60]  }
0xb6: {  	v0 =	vadd.f32 v21, v0;
	v48 =	vmul.f32 v45, v25;
	[tilespmem:$0x1FF90] =	vst v40;
	v40 =	vld [tilespmem:$0x1FC80]  }
0xb7: {  	v50 =	vmul.f32 v53, v9;
	v53 =	vmul.f32 v51, v18;
	v51 =	vld [tilespmem:$0x1FCB0]  }
0xb8: {  	v19 =	vadd.f32 v34, v19;
	v33 =	vadd.f32 v48, v0;
	v48 =	vld [tilespmem:$0x1FCA0]  }
0xb9: {  	v2 =	vadd.f32 v20, v2;
	v20 =	vld [tilespmem:$0x620]  }
0xba: {  	v19 =	vadd.f32 v41, v19;
	v41 =	vmul.f32 v63, v15;
	v63 =	vld [tilespmem:$0x1FCD0];
	v43 =	vmul.f32 v42, v7  }
0xbb: {  	v42 =	vmul.f32 v62, v14;
	v62 =	vmul.f32 v60, v5;
	v60 =	vld [tilespmem:$0x1FD00]  }
0xbc: {  	v1 =	vadd.f32 v43, v1;
	v43 =	vld [tilespmem:$0x1FC90]  }
0xbd: {  	v55 =	vmul.f32 v54, v6;
	v45 =	vadd.f32 v42, v41;
	v41 =	vld [tilespmem:$0xA10]  }
0xbe: {  	v34 =	vadd.f32 v50, v19;
	v2 =	vadd.f32 v53, v2;
	v53 =	vmul.f32 v51, v13;
	v51 =	vld [tilespmem:$0xA50]  }
0xbf: {  	v19 =	vmul.f32 v38, v5;
	v21 =	vmul.f32 v36, v25;
	v42 =	vld [tilespmem:$0x1FD50]  }
0xc0: {  	[tilespmem:$0x1FF10] =	vst v29;
	v29 =	vmul.f32 v40, v7;
	v0 =	vadd.f32 v35, v34;
	v35 =	vld [tilespmem:$0x660];
	v1 =	vadd.f32 v55, v1  }
0xc1: {  	v50 =	vmul.f32 v48, v4;
	v48 =	vld [tilespmem:$0x1FCE0];
	v36 =	vadd.f32 v21, v2  }
0xc2: {  	v21 =	vld [tilespmem:$0xA70];
	v0 =	vadd.f32 v29, v0;
	v1 =	vadd.f32 v19, v1;
	v19 =	vmul.f32 v43, v6  }
0xc3: {  	v23 =	vmul.f32 v23, v14;
	v54 =	vmul.f32 v3, v15;
	v34 =	vld [tilespmem:$0xAF0]  }
0xc4: {  	v29 =	vadd.f32 v53, v45;
	v45 =	vld [tilespmem:$0xA40];
	v0 =	vadd.f32 v19, v0;
	v19 =	vmul.f32 v63, v12  }
0xc5: {  	v28 =	vmul.f32 v28, v13;
	v23 =	vadd.f32 v23, v54;
	v53 =	vld [tilespmem:$0x1FCF0]  }
0xc6: {  	v1 =	vadd.f32 v50, v1;
	v50 =	vmul.f32 v48, v11;
	v63 =	vld [tilespmem:$0x1FD10];
	v29 =	vadd.f32 v19, v29  }
0xc7: {  	[tilespmem:$0x1FFC0] =	vst v21;
	v21 =	vld [tilespmem:$0x1FD40]  }
0xc8: {  	v32 =	vmul.f32 v32, v12;
	v23 =	vadd.f32 v28, v23;
	v29 =	vadd.f32 v50, v29;
	v50 =	vld [tilespmem:$0x1FD30]  }
0xc9: {  	[tilespmem:$0x1FF50] =	vst v45;
	v45 =	vld [tilespmem:$0x1FD20];
	v0 =	vadd.f32 v62, v0;
	v62 =	vmul.f32 v60, v4  }
0xca: {  	v23 =	vadd.f32 v32, v23;
	v38 =	vmul.f32 v37, v11;
	v2 =	vld [tilespmem:$0x670]  }
0xcb: {  	v30 =	vadd.f32 v62, v0;
	v62 =	vld [tilespmem:$0x1FD70]  }
0xcc: {  	v32 =	vadd.f32 v38, v23;
	v19 =	vmul.f32 v63, v10;
	v23 =	vmul.f32 v21, v16;
	v21 =	vld [tilespmem:$0x1FD80]  }
0xcd: {  	[tilespmem:$0x1FF80] =	vst v51;
	v54 =	vmul.f32 v53, v16;
	v51 =	vmul.f32 v50, v17;
	v50 =	vld [tilespmem:$0x1FD60]  }
0xce: {  	v55 =	vld [tilespmem:$0xA20];
	v48 =	vmul.f32 v45, v9;
	v29 =	vadd.f32 v19, v29  }
0xcf: {  	v43 =	vld [tilespmem:$0xA30];
	v28 =	vadd.f32 v54, v1  }
0xd0: {  	v53 =	vld [tilespmem:$0xAD0];
	v45 =	vmul.f32 v42, v8;
	v19 =	vmul.f32 v39, v10;
	v29 =	vadd.f32 v48, v29  }
0xd1: {  	v42 =	vld [tilespmem:$0x1FD90];
	v30 =	vadd.f32 v23, v30;
	v63 =	vmul.f32 v62, v18;
	v28 =	vadd.f32 v51, v28  }
0xd2: {  	v23 =	vmul.f32 v21, v17;
	v21 =	vld [tilespmem:$0x1FDC0];
	v29 =	vadd.f32 v45, v29;
	v51 =	vmul.f32 v50, v7  }
0xd3: {  	v28 =	vadd.f32 v63, v28;
	v63 =	vld [tilespmem:$0x1FDB0]  }
0xd4: {  	v32 =	vadd.f32 v19, v32;
	v48 =	vmul.f32 v58, v9;
	v29 =	vadd.f32 v51, v29;
	v51 =	vld [tilespmem:$0x1FDA0]  }
0xd5: {  	[tilespmem:$0x1FF20] =	vst v55;
	v55 =	vld [tilespmem:$0xA60]  }
0xd6: {  	v19 =	vmul.f32 v44, v8;
	v32 =	vadd.f32 v48, v32;
	v50 =	vld [tilespmem:$0xE80]  }
0xd7: {  	v45 =	vmul.f32 v42, v6;
	v38 =	vadd.f32 v23, v30;
	v23 =	vmul.f32 v21, v6;
	v21 =	vld [tilespmem:$0x1FDF0]  }
0xd8: {  	v32 =	vadd.f32 v19, v32;
	v19 =	vmul.f32 v63, v25;
	v63 =	vld [tilespmem:$0x1FDE0]  }
0xd9: {  	[tilespmem:$0x1FF70] =	vst v53;
	v62 =	vld [tilespmem:$0xE90];
	v48 =	vmul.f32 v46, v7;
	v29 =	vadd.f32 v45, v29;
	v53 =	vmul.f32 v51, v5  }
0xda: {  	v51 =	vld [tilespmem:$0x1FE10]  }
0xdb: {  	v40 =	vadd.f32 v48, v32;
	v39 =	vadd.f32 v53, v29;
	v53 =	vld [tilespmem:$0x1FDD0]  }
0xdc: {  	v47 =	vmul.f32 v47, v14;
	v49 =	vmul.f32 v49, v15;
	[tilespmem:$0x1FFB0] =	vst v50;
	v50 =	vld [tilespmem:$0x1FE00]  }
0xdd: {  	v40 =	vadd.f32 v23, v40;
	v23 =	vmul.f32 v21, v16;
	v21 =	vld [tilespmem:$0x1FE30];
	v3 =	vmul.f32 v63, v4  }
0xde: {  	v28 =	vadd.f32 v19, v28;
	v19 =	vmul.f32 v59, v5;
	v59 =	vld [tilespmem:$0xEE0]  }
0xdf: {  	v49 =	vadd.f32 v47, v49;
	v63 =	vld [tilespmem:$0x1FE20];
	v39 =	vadd.f32 v3, v39  }
0xe0: {  	v60 =	vld [tilespmem:$0xAA0];
	[tilespmem:$0x1FFD0] =	vst v62;
	v40 =	vadd.f32 v19, v40;
	v62 =	vmul.f32 v53, v18;
	v53 =	vmul.f32 v51, v4  }
0xe1: {  	v54 =	vld [tilespmem:$0xA80];
	v42 =	vmul.f32 v50, v25;
	v50 =	vmul.f32 v61, v13;
	v39 =	vadd.f32 v23, v39  }
0xe2: {  	[tilespmem:$0x1FF30] =	vst v43;
	v43 =	vld [tilespmem:$0xA90];
	v23 =	vmul.f32 v21, v16;
	v45 =	vadd.f32 v62, v38;
	v62 =	vadd.f32 v53, v40  }
0xe3: {  	[tilespmem:$0x1FFE0] =	vst v59;
	v59 =	vld [tilespmem:$0x1FE40];
	v21 =	vmul.f32 v56, v12  }
0xe4: {  	(xrf2) =	vadd.scan.msk.f32 $0xffff, v33;
	v19 =	vmul.f32 v63, v17;
	v63 =	vld [tilespmem:$0x1FE50];
	v33 =	vadd.f32 v23, v62;
	v62 =	vadd.f32 v50, v49  }
0xe5: {  	v23 =	vmul.f32 v57, v15;
	v57 =	vld [tilespmem:$0x1FE60]  }
0xe6: {  	(xrf2) =	vadd.scan.msk.f32 $0xffff, v36;
	v36 =	vadd.f32 v21, v62;
	v62 =	vld [tilespmem:$0x1FE70]  }
0xe7: {  	[tilespmem:$0x1FFA0] =	vst v55;
	v55 =	vld [tilespmem:$0xAB0]  }
0xe8: {  	v58 =	vld [tilespmem:$0xAC0];
	v39 =	vadd.f32 v19, v39;
	v61 =	vmul.f32 v59, v18  }
0xe9: {  	v44 =	vld [tilespmem:$0xAE0];
	v19 =	vmul.f32 v63, v17  }
0xea: {  	v46 =	vld [tilespmem:$0xEF0];
	v39 =	vadd.f32 v61, v39  }
0xeb: {  	v48 =	vld [tilespmem:$0x1FE80];
	v33 =	vadd.f32 v19, v33;
	v61 =	vmul.f32 v57, v25;
	v63 =	vmul.f32 v62, v18  }
0xec: {  	v30 =	vld [tilespmem:$0xEA0]  }
0xed: {  	v26 =	vmul.f32 v26, v14;
	(xrf2) =	vadd.scan.msk.f32 $0xffff, v28;
	v28 =	vadd.f32 v61, v39;
	v61 =	vadd.f32 v63, v33;
	v63 =	vld [tilespmem:$0x1FE90]  }
0xee: {  	v52 =	vmul.f32 v52, v11;
	v32 =	vld [tilespmem:$0xEB0]  }
0xef: {  	v20 =	vmul.f32 v20, v13;
	v29 =	vld [tilespmem:$0xEC0];
	v26 =	vadd.f32 v26, v23  }
0xf0: {  	v56 =	vld [tilespmem:$0xB30];
	v36 =	vadd.f32 v52, v36;
	v52 =	vmul.f32 v48, v10  }
0xf1: {  	v51 =	vld [tilespmem:$0xB00];
	v20 =	vadd.f32 v20, v26;
	v57 =	vmul.f32 v27, v12  }
0xf2: {  	v23 =	vld [tilespmem:$0x1FEA0];
	v19 =	vmul.f32 v63, v25  }
0xf3: {  	v26 =	vadd.f32 v57, v20;
	v20 =	vld [tilespmem:$0x1FEC0]  }
0xf4: {  	v22 =	vmul.f32 v22, v11;
	v38 =	vld [tilespmem:$0xED0];
	v62 =	vadd.f32 v52, v36;
	v52, _, _ =	vpop (xrf2)  }
0xf5: {  	v53 =	vld [tilespmem:$0xB10];
	v42 =	vadd.f32 v42, v45;
	v48 =	vbroadcast v52, $0xF  }
0xf6: {  	v26 =	vadd.f32 v22, v26;
	v63 =	vmul.f32 v24, v10;
	v27 =	vadd.f32 v19, v61;
	v61 =	vld [tilespmem:$0x1FEB0];
	v19, _, _ =	vpop (xrf2)  }
0xf7: {  	v59 =	vld [tilespmem:$0xB20];
	(xrf2) =	vadd.scan.msk.f32 $0xffff, v42;
	v37 =	vmul.f32 v23, v9;
	v57 =	vnsel vm0, $0x0, v48;
	v23 =	vbroadcast v19, $0xF  }
0xf8: {  	(xrf2) =	vadd.scan.msk.f32 $0xffff, v28;
	v47 =	vadd.f32 v57, v20;
	v26 =	vadd.f32 v63, v26;
	v63 =	vld [tilespmem:$0x1FED0];
	v3, _, _ =	vpop (xrf2)  }
0xf9: {  	v40 =	vld [tilespmem:$0xB70];
	(xrf2) =	vadd.scan.msk.f32 $0xffff, v27;
	v19 =	vbroadcast v3, $0xF;
	v27 =	vnsel vm1, $0x0, v23  }
0xfa: {  	v35 =	vmul.f32 v35, v9;
	v23 =	vld [tilespmem:$0x1FEE0];
	v47 =	vadd.f32 v27, v47  }
0xfb: {  	v50 =	vld [tilespmem:$0xB40];
	v42 =	vadd.f32 v37, v62;
	v62 =	vmul.f32 v61, v8;
	v20 =	vnsel vm2, $0x0, v19  }
0xfc: {  	v26 =	vadd.f32 v35, v26;
	v35 =	vadd.f32 v20, v47;
	v20 =	vld [tilespmem:$0x1FEF0]  }
0xfd: {  	v49 =	vld [tilespmem:$0xB50];
	v1 =	vmul.f32 v63, v7;
	v42 =	vadd.f32 v62, v42  }
0xfe: {  	v45 =	vld [tilespmem:$0xB60]  }
0xff: {  	v21 =	vld [tilespmem:$0xF20];
	v42 =	vadd.f32 v1, v42;
	v27 =	vmul.f32 v23, v6  }
0x100: {  	v39 =	vld [tilespmem:$0xF00]  }
0x101: {  	v2 =	vmul.f32 v2, v8;
	v36 =	vld [tilespmem:$0xF10];
	v42 =	vadd.f32 v27, v42;
	v23 =	vmul.f32 v20, v5  }
0x102: {  	v33 =	vld [tilespmem:$0xF30]  }
0x103: {  	v2 =	vadd.f32 v2, v26;
	v26 =	vadd.f32 v23, v42;
	v23 =	vld [tilespmem:$0x1FF00]  }
0x104: {  	v28 =	vld [tilespmem:$0xF40]  }
0x105: {  	v22 =	vld [tilespmem:$0xF50];
	v19, _, _ =	vpop (xrf2)  }
0x106: {  	v31 =	vmul.f32 v31, v7;
	v37 =	vld [tilespmem:$0xF70];
	v47 =	vbroadcast v19, $0xF;
	v3, _, _ =	vpop (xrf2)  }
0x107: {  	v52 =	vld [tilespmem:$0xBA0];
	v20 =	vbroadcast v3, $0xF  }
0x108: {  	v48 =	vld [tilespmem:$0xBE0];
	v2 =	vadd.f32 v31, v2;
	v47 =	vnsel vm3, $0x0, v47;
	v27 =	vmul.f32 v23, v4  }
0x109: {  	v57 =	vld [tilespmem:$0xB90];
	v35 =	vadd.f32 v47, v35;
	v0 =	vnsel vm4, $0x0, v20;
	v20 =	vmul.f32 v41, v6;
	v23, _, _ =	vpop (xrf2)  }
0x10a: {  	v24 =	vld [tilespmem:$0xF60];
	v26 =	vadd.f32 v27, v26;
	v27 =	vbroadcast v23, $0xF  }
0x10b: {  	v3 =	vadd.f32 v0, v35;
	v2 =	vadd.f32 v20, v2;
	v20 =	vld [tilespmem:$0x1FF20]  }
0x10c: {  	v61 =	vld [tilespmem:$0xB80];
	v42 =	vnsel vm5, $0x0, v27  }
0x10d: {  	v3 =	vadd.f32 v42, v3;
	v42 =	vld [tilespmem:$0x1FF30]  }
0x10e: {  	v63 =	vld [tilespmem:$0xBB0];
	v23 =	vmul.f32 v54, v15;
	v27 =	vmul.f32 v43, v14  }
0x10f: {  	v31 =	vld [tilespmem:$0x1FF10]  }
0x110: {  	v62 =	vld [tilespmem:$0xBC0];
	v0 =	vmul.f32 v20, v5;
	v54 =	vmul.f32 v60, v13;
	v1 =	vadd.f32 v27, v23  }
0x111: {  	v19 =	vld [tilespmem:$0xBD0]  }
0x112: {  	v0 =	vadd.f32 v0, v2;
	v1 =	vadd.f32 v54, v1;
	v54 =	vld [tilespmem:$0x1FF40];
	v2 =	vmul.f32 v42, v4  }
0x113: {  	v47 =	vld [tilespmem:$0xBF0]  }
0x114: {  	v41 =	vld [tilespmem:$0xF80];
	v60 =	vmul.f32 v53, v14;
	v0 =	vadd.f32 v2, v0;
	v2 =	vmul.f32 v51, v15  }
0x115: {  	v35 =	vld [tilespmem:$0xF90]  }
0x116: {  	v59 =	vmul.f32 v59, v13;
	v31 =	vmul.f32 v31, v16;
	v20 =	vld [tilespmem:$0xFA0];
	v2 =	vadd.f32 v60, v2  }
0x117: {  	v53 =	vmul.f32 v54, v17;
	v54 =	vmul.f32 v55, v12;
	v55 =	vld [tilespmem:$0x1FF50]  }
0x118: {  	v2 =	vadd.f32 v59, v2;
	v59 =	vld [tilespmem:$0x1FF70]  }
0x119: {  	v43 =	vld [tilespmem:$0xFB0];
	v31 =	vadd.f32 v31, v26  }
0x11a: {  	v26 =	vld [tilespmem:$0xFD0]  }
0x11b: {  	v23 =	vld [tilespmem:$0xFE0];
	v31 =	vadd.f32 v53, v31;
	v1 =	vadd.f32 v54, v1;
	v53 =	vmul.f32 v58, v11  }
0x11c: {  	v58 =	vld [tilespmem:$0x1FF60]  }
0x11d: {  	v27 =	vld [tilespmem:$0xFF0];
	v1 =	vadd.f32 v53, v1;
	v51 =	vmul.f32 v55, v16;
	v55 =	vmul.f32 v59, v10  }
0x11e: {  	[tilespmem:$0x1FFF0] =	vst v3;
	v3 =	vld [tilespmem:$0xC40]  }
0x11f: {  	v0 =	vadd.f32 v51, v0;
	v51 =	vmul.f32 v56, v12;
	v1 =	vadd.f32 v55, v1;
	v55 =	vld [tilespmem:$0x1FF90]  }
0x120: {  	v42 =	vld [tilespmem:$0xFC0]  }
0x121: {  	v53 =	vmul.f32 v58, v18;
	v2 =	vadd.f32 v51, v2;
	v51 =	vld [tilespmem:$0x1FF80]  }
0x122: {  	v44 =	vmul.f32 v44, v9;
	v50 =	vmul.f32 v50, v11;
	v60 =	vld [tilespmem:$0xC00]  }
0x123: {  	v49 =	vmul.f32 v49, v10;
	v58 =	vld [tilespmem:$0x1FFA0];
	v31 =	vadd.f32 v53, v31  }
0x124: {  	v54 =	vld [tilespmem:$0xC10];
	v2 =	vadd.f32 v50, v2;
	v1 =	vadd.f32 v44, v1;
	v44 =	vmul.f32 v55, v25  }
0x125: {  	v56 =	vld [tilespmem:$0xC20]  }
0x126: {  	v49 =	vadd.f32 v49, v2;
	v51 =	vmul.f32 v51, v17;
	v2 =	vadd.f32 v44, v31;
	v44 =	vld [tilespmem:$0x1FFB0]  }
0x127: {  	v59 =	vld [tilespmem:$0xC30]  }
0x128: {  	v53 =	vld [tilespmem:$0xC50];
	v55 =	vmul.f32 v58, v18;
	v0 =	vadd.f32 v51, v0  }
0x129: {  	v45 =	vmul.f32 v45, v9;
	v50 =	vld [tilespmem:$0xC60]  }
0x12a: {  	v34 =	vmul.f32 v34, v8;
	v0 =	vadd.f32 v55, v0;
	v55 =	vld [tilespmem:$0x1FFD0]  }
0x12b: {  	v31 =	vmul.f32 v44, v7;
	v44 =	vadd.f32 v45, v49;
	v49 =	vld [tilespmem:$0x1FFC0]  }
0x12c: {  	v1 =	vadd.f32 v34, v1;
	v34 =	vld [tilespmem:$0x1010]  }
0x12d: {  	v58 =	vld [tilespmem:$0x1000]  }
0x12e: {  	v40 =	vmul.f32 v40, v8;
	v51 =	vld [tilespmem:$0xC70]  }
0x12f: {  	v45 =	vld [tilespmem:$0x1020];
	v1 =	vadd.f32 v31, v1  }
0x130: {  	v40 =	vadd.f32 v40, v44;
	v44 =	vld [tilespmem:$0x1040];
	v31 =	vmul.f32 v49, v25;
	v49 =	vmul.f32 v55, v6  }
0x131: {  	v46 =	vmul.f32 v46, v25;
	v39 =	vmul.f32 v39, v7;
	v55 =	vld [tilespmem:$0x1030]  }
0x132: {  	v30 =	vmul.f32 v30, v5;
	v1 =	vadd.f32 v49, v1;
	v49 =	vmul.f32 v61, v15;
	v61 =	vld [tilespmem:$0x1050]  }
0x133: {  	v0 =	vadd.f32 v31, v0;
	v31 =	vadd.f32 v39, v40;
	v39 =	vmul.f32 v36, v6;
	v36 =	vld [tilespmem:$0x1060]  }
0x134: {  	v32 =	vmul.f32 v32, v4;
	v57 =	vmul.f32 v57, v14;
	v1 =	vadd.f32 v30, v1;
	v30 =	vld [tilespmem:$0x1070]  }
0x135: {  	v29 =	vmul.f32 v29, v16;
	v21 =	vmul.f32 v21, v5;
	v31 =	vadd.f32 v39, v31;
	v39 =	vld [tilespmem:$0xC80]  }
0x136: {  	v33 =	vmul.f32 v33, v4;
	v40 =	vadd.f32 v57, v49;
	v57 =	vmul.f32 v52, v13;
	v52 =	vld [tilespmem:$0xC90]  }
0x137: {  	v63 =	vmul.f32 v63, v12;
	v54 =	vmul.f32 v54, v14;
	v49 =	vld [tilespmem:$0xCB0]  }
0x138: {  	v40 =	vadd.f32 v57, v40;
	v21 =	vadd.f32 v21, v31;
	v31 =	vmul.f32 v60, v15;
	v57 =	vld [tilespmem:$0xCA0]  }
0x139: {  	v60 =	vmul.f32 v62, v11;
	v62 =	vmul.f32 v56, v13;
	v56 =	vld [tilespmem:$0xCE0]  }
0x13a: {  	v28 =	vmul.f32 v28, v16;
	v22 =	vmul.f32 v22, v17;
	v31 =	vadd.f32 v54, v31;
	v54 =	vld [tilespmem:$0xCC0]  }
0x13b: {  	v37 =	vmul.f32 v37, v25;
	v1 =	vadd.f32 v32, v1;
	v63 =	vadd.f32 v63, v40;
	v40 =	vld [tilespmem:$0xCD0]  }
0x13c: {  	v24 =	vmul.f32 v24, v18;
	v19 =	vmul.f32 v19, v10;
	v21 =	vadd.f32 v33, v21;
	v33 =	vld [tilespmem:$0x1090]  }
0x13d: {  	v35 =	vmul.f32 v35, v6;
	v1 =	vadd.f32 v29, v1;
	v29 =	vld [tilespmem:$0x10C0];
	v32 =	vadd.f32 v60, v63  }
0x13e: {  	v31 =	vadd.f32 v62, v31;
	v63 =	vmul.f32 v59, v12;
	v60 =	vmul.f32 v48, v9;
	v48 =	vld [tilespmem:$0xCF0]  }
0x13f: {  	v20 =	vmul.f32 v20, v5;
	v26 =	vmul.f32 v26, v17;
	v21 =	vadd.f32 v28, v21;
	v28 =	vld [tilespmem:$0x10D0]  }
0x140: {  	v23 =	vmul.f32 v23, v18;
	v19 =	vadd.f32 v19, v32;
	v62 =	vadd.f32 v63, v31;
	v31 =	vld [tilespmem:$0x1080]  }
0x141: {  	v3 =	vmul.f32 v3, v11;
	v63 =	vmul.f32 v38, v17;
	v38 =	vld [tilespmem:$0x10A0]  }
0x142: {  	v27 =	vmul.f32 v27, v25;
	v32 =	vld [tilespmem:$0x10B0];
	v21 =	vadd.f32 v22, v21;
	v19 =	vadd.f32 v60, v19  }
0x143: {  	v59 =	vmul.f32 v47, v8;
	v3 =	vadd.f32 v3, v62;
	v47 =	vadd.f32 v63, v1;
	v1 =	vld [tilespmem:$0x10E0]  }
0x144: {  	v60 =	vmul.f32 v53, v10;
	v63 =	vmul.f32 v41, v7;
	v21 =	vadd.f32 v24, v21;
	v24 =	vld [tilespmem:$0xD00]  }
0x145: {  	v53 =	vmul.f32 v50, v9;
	v50 =	vmul.f32 v43, v4;
	v43 =	vld [tilespmem:$0x1100];
	v62 =	vadd.f32 v59, v19  }
0x146: {  	v34 =	vmul.f32 v34, v6;
	v44 =	vmul.f32 v44, v16;
	v3 =	vadd.f32 v60, v3;
	v59 =	vld [tilespmem:$0x1FFE0]  }
0x147: {  	v36 =	vmul.f32 v36, v18;
	v21 =	vadd.f32 v37, v21;
	v37 =	vld [tilespmem:$0xD40];
	v19 =	vadd.f32 v63, v62  }
0x148: {  	v3 =	vadd.f32 v53, v3;
	v62 =	vmul.f32 v51, v8;
	v63 =	vmul.f32 v58, v7;
	v51 =	vld [tilespmem:$0xD10]  }
0x149: {  	v53 =	vmul.f32 v42, v16;
	v58 =	vmul.f32 v45, v5;
	v42 =	vld [tilespmem:$0xD50];
	v35 =	vadd.f32 v35, v19  }
0x14a: {  	v45 =	vld [tilespmem:$0xD60];
	v3 =	vadd.f32 v62, v3;
	v62 =	vmul.f32 v55, v4;
	v55 =	vmul.f32 v54, v11  }
0x14b: {  	v54 =	vld [tilespmem:$0xDB0];
	v60 =	vmul.f32 v59, v18;
	v59 =	vmul.f32 v39, v15  }
0x14c: {  	v39 =	vld [tilespmem:$0x1110];
	v20 =	vadd.f32 v20, v35;
	v3 =	vadd.f32 v63, v3;
	v63 =	vmul.f32 v57, v13  }
0x14d: {  	v57 =	vmul.f32 v61, v17;
	v61 =	vmul.f32 v37, v11;
	v37 =	vld [tilespmem:$0x1160];
	v41 =	vadd.f32 v60, v47  }
0x14e: {  	v24 =	vmul.f32 v24, v15;
	v47 =	vld [tilespmem:$0xD20];
	v60 =	vmul.f32 v52, v14  }
0x14f: {  	v20 =	vadd.f32 v50, v20;
	v50 =	vmul.f32 v51, v14;
	v22 =	vadd.f32 v46, v41;
	v41 =	vld [tilespmem:$0xD30]  }
0x150: {  	v30 =	vmul.f32 v30, v25;
	v33 =	vmul.f32 v33, v6;
	v35 =	vadd.f32 v60, v59;
	v46 =	vld [tilespmem:$0xD70]  }
0x151: {  	v38 =	vmul.f32 v38, v5;
	v3 =	vadd.f32 v34, v3;
	v24 =	vadd.f32 v50, v24;
	v50 =	vld [tilespmem:$0xD90]  }
0x152: {  	v1 =	vmul.f32 v1, v18;
	v52 =	vmul.f32 v49, v12;
	v51 =	vadd.f32 v63, v35;
	v35 =	vld [tilespmem:$0x1150]  }
0x153: {  	v49 =	vmul.f32 v42, v10;
	v20 =	vadd.f32 v53, v20;
	v3 =	vadd.f32 v58, v3;
	v63 =	vld [tilespmem:$0xD80]  }
0x154: {  	v60 =	vmul.f32 v40, v10;
	v53 =	vmul.f32 v47, v13;
	v47 =	vld [tilespmem:$0x1130]  }
0x155: {  	v3 =	vadd.f32 v62, v3;
	v20 =	vadd.f32 v26, v20;
	v62 =	vmul.f32 v56, v9;
	v56 =	vld [tilespmem:$0xDC0]  }
0x156: {  	v26 =	vadd.f32 v52, v51;
	v51 =	vmul.f32 v48, v8;
	v52 =	vld [tilespmem:$0xDA0];
	v48 =	vmul.f32 v39, v6  }
0x157: {  	v39 =	vld [tilespmem:$0xE70];
	v3 =	vadd.f32 v44, v3;
	v24 =	vadd.f32 v53, v24;
	v58 =	vmul.f32 v41, v12  }
0x158: {  	v44 =	vld [tilespmem:$0x1120];
	v20 =	vadd.f32 v23, v20;
	v53 =	vmul.f32 v45, v9;
	v59 =	vadd.f32 v55, v26  }
0x159: {  	v41 =	vld [tilespmem:$0x1140];
	v55 =	vmul.f32 v31, v7;
	v3 =	vadd.f32 v57, v3;
	v24 =	vadd.f32 v58, v24  }
0x15a: {  	v57 =	vmul.f32 v46, v8;
	v58 =	vld [tilespmem:$0xE00];
	v23 =	vadd.f32 v60, v59;
	v59 =	vmul.f32 v63, v15  }
0x15b: {  	v20 =	vadd.f32 v27, v20;
	v46 =	vld [tilespmem:$0xE20];
	v60 =	vmul.f32 v50, v14;
	v50 =	vmul.f32 v54, v12  }
0x15c: {  	v54 =	vmul.f32 v56, v11;
	v24 =	vadd.f32 v61, v24;
	v3 =	vadd.f32 v36, v3;
	v61 =	vld [tilespmem:$0xE10]  }
0x15d: {  	v63 =	vld [tilespmem:$0xDD0];
	v27 =	vmul.f32 v52, v13;
	v36 =	vmul.f32 v29, v16;
	v23 =	vadd.f32 v62, v23  }
0x15e: {  	v56 =	vld [tilespmem:$0x1180];
	v62 =	vmul.f32 v43, v7;
	v26 =	vadd.f32 v60, v59;
	v52 =	vmul.f32 v44, v5  }
0x15f: {  	v59 =	vld [tilespmem:$0xE50];
	v60 =	vmul.f32 v47, v4;
	v40 =	vmul.f32 v41, v16;
	v24 =	vadd.f32 v49, v24  }
0x160: {  	v23 =	vadd.f32 v51, v23;
	v26 =	vadd.f32 v27, v26;
	v15 =	vmul.f32 v58, v15;
	v51 =	vld [tilespmem:$0xE30]  }
0x161: {  	v49 =	vld [tilespmem:$0xDE0];
	v13 =	vmul.f32 v46, v13;
	v24 =	vadd.f32 v53, v24;
	v14 =	vmul.f32 v61, v14  }
0x162: {  	v46 =	vmul.f32 v28, v17;
	v23 =	vadd.f32 v55, v23;
	v26 =	vadd.f32 v50, v26;
	v55 =	vld [tilespmem:$0xE40]  }
0x163: {  	v44 =	vld [tilespmem:$0x1200];
	v58 =	vmul.f32 v63, v10;
	v24 =	vadd.f32 v57, v24;
	v14 =	vadd.f32 v14, v15  }
0x164: {  	v53 =	vld [tilespmem:$0xDF0];
	v57 =	vmul.f32 v32, v4;
	v10 =	vmul.f32 v59, v10;
	v23 =	vadd.f32 v33, v23  }
0x165: {  	v63 =	vld [tilespmem:$0xE60];
	v26 =	vadd.f32 v54, v26;
	v12 =	vmul.f32 v51, v12;
	v13 =	vadd.f32 v13, v14  }
0x166: {  	v45 =	vld [tilespmem:$0x11C0];
	v15 =	vmul.f32 v56, v7;
	v24 =	vadd.f32 v62, v24;
	v62 =	vmul.f32 v49, v9  }
0x167: {  	v61 =	vld [tilespmem:$0x1190];
	v26 =	vadd.f32 v58, v26;
	v11 =	vmul.f32 v55, v11;
	v12 =	vadd.f32 v12, v13  }
0x168: {  	v50 =	vld [tilespmem:$0x11D0];
	v7 =	vmul.f32 v44, v7;
	v49 =	vmul.f32 v35, v17;
	v23 =	vadd.f32 v38, v23  }
0x169: {  	v34 =	vld [tilespmem:$0x11A0];
	v38 =	vmul.f32 v53, v8;
	v26 =	vadd.f32 v62, v26;
	v11 =	vadd.f32 v11, v12  }
0x16a: {  	(xrf2) =	vadd.scan.msk.f32 $0xffff, v2;
	v41 =	vld [tilespmem:$0x11B0];
	v3 =	vadd.f32 v30, v3;
	v9 =	vmul.f32 v63, v9;
	v8 =	vmul.f32 v39, v8  }
0x16b: {  	(xrf2) =	vadd.scan.msk.f32 $0xffff, v0;
	v54 =	vld [tilespmem:$0x1230];
	v58 =	vmul.f32 v37, v18;
	v43 =	vadd.f32 v38, v26;
	v10 =	vadd.f32 v10, v11  }
0x16c: {  	(xrf2) =	vadd.scan.msk.f32 $0xffff, v22;
	v24 =	vadd.f32 v48, v24;
	v47 =	vmul.f32 v61, v6;
	v48 =	vld [tilespmem:$0x1210];
	v61 =	vmul.f32 v45, v16  }
0x16d: {  	(xrf2) =	vadd.scan.msk.f32 $0xffff, v21;
	v59 =	vld [tilespmem:$0x11E0];
	v21 =	vmul.f32 v50, v17;
	v15 =	vadd.f32 v15, v43;
	v9 =	vadd.f32 v9, v10  }
0x16e: {  	v23 =	vadd.f32 v57, v23;
	v13 =	vmul.f32 v34, v5;
	v24 =	vadd.f32 v52, v24;
	v52 =	vld [tilespmem:$0x1220]  }
0x16f: {  	v19 =	vld [tilespmem:$0x10F0];
	v57 =	vmul.f32 v41, v4;
	v51 =	vadd.f32 v47, v15;
	v8 =	vadd.f32 v8, v9  }
0x170: {  	v62 =	vld [tilespmem:$0x1240];
	v4 =	vmul.f32 v54, v4;
	v42 =	vadd.f32 v36, v23;
	v14 =	vadd.f32 v60, v24  }
0x171: {  	v56 =	vld [tilespmem:$0x1170];
	v6 =	vmul.f32 v48, v6;
	v55 =	vadd.f32 v13, v51;
	v7 =	vadd.f32 v7, v8  }
0x172: {  	v22 =	vld [tilespmem:$0x1250];
	v26 =	vmul.f32 v59, v18;
	v2 =	vadd.f32 v46, v42;
	v12 =	vadd.f32 v40, v14  }
0x173: {  	v63 =	vld [tilespmem:$0x11F0];
	v5 =	vmul.f32 v52, v5;
	v60 =	vadd.f32 v57, v55;
	v6 =	vadd.f32 v6, v7  }
0x174: {  	v24 =	vmul.f32 v19, v25;
	v1 =	vadd.f32 v1, v2;
	v53 =	vadd.f32 v49, v12  }
0x175: {  	(xrf2) =	vadd.scan.msk.f32 $0xffff, v20;
	v35 =	vld [tilespmem:$0x1FFF0];
	v29 =	vmul.f32 v62, v16;
	v2 =	vadd.f32 v61, v60;
	v5 =	vadd.f32 v5, v6  }
0x176: {  	v27 =	vld [tilespmem:$0x1260];
	v12 =	vmul.f32 v56, v25;
	v15, _, _ =	vpop (xrf2);
	v1 =	vadd.f32 v24, v1;
	v0 =	vadd.f32 v58, v53  }
0x177: {  	(xrf2) =	vadd.scan.msk.f32 $0xffff, v3;
	v23 =	vbroadcast v15, $0xF;
	v2 =	vadd.f32 v21, v2;
	v28 =	vadd.f32 v4, v5  }
0x178: {  	v31 =	vld [tilespmem:$0x1270];
	v34 =	vmul.f32 v22, v17;
	v33 =	vmul.f32 v63, v25;
	v0 =	vadd.f32 v12, v0  }
0x179: {  	v32, _, _ =	vpop (xrf2);
	(xrf2) =	vadd.scan.msk.f32 $0xffff, v1;
	v30 =	vnsel vm6, $0x0, v23;
	v2 =	vadd.f32 v26, v2;
	v3 =	vadd.f32 v29, v28  }
0x17a: {  	v36 =	vbroadcast v32, $0xF;
	v5 =	vadd.f32 v30, v35  }
0x17b: {  	v40 =	vmul.f32 v27, v18;
	v37, _, _ =	vpop (xrf2);
	(xrf2) =	vadd.scan.msk.f32 $0xffff, v0;
	v38 =	vadd.f32 v33, v2;
	v39 =	vadd.f32 v34, v3  }
0x17c: {  	v42 =	vbroadcast v37, $0xF;
	v41 =	vnsel vm7, $0x0, v36  }
0x17d: {  	v45 =	vmul.f32 v31, v25;
	v43, _, _ =	vpop (xrf2);
	v3 =	vadd.f32 v41, v5;
	(xrf2) =	vadd.scan.msk.f32 $0xffff, v38;
	v44 =	vadd.f32 v40, v39  }
0x17e: {  	v47 =	vbroadcast v43, $0xF;
	v46 =	vnsel vm8, $0x0, v42  }
0x17f: {  	v48, _, _ =	vpop (xrf2);
	v2 =	vadd.f32 v46, v3;
	v0 =	vadd.f32 v45, v44  }
0x180: {  	v50 =	vbroadcast v48, $0xF;
	v49 =	vnsel vm9, $0x0, v47  }
0x181: {  	v51, _, _ =	vpop (xrf2);
	v1 =	vadd.f32 v49, v2;
	(xrf2) =	vadd.scan.msk.f32 $0xffff, v0  }
0x182: {  	v52 =	vnsel vm10, $0x0, v50;
	v2 =	vbroadcast v51, $0xF  }
0x183: {  	v53, _, _ =	vpop (xrf2);
	v0 =	vadd.f32 v52, v1  }
0x184: {  	v55 =	vbroadcast v53, $0xF;
	v54 =	vnsel vm11, $0x0, v2  }
0x185: {  	v56, _, _ =	vpop (xrf2);
	v0 =	vadd.f32 v54, v0  }
0x186: {  	v57 =	vnsel vm12, $0x0, v55;
	v58 =	vbroadcast v56, $0xF  }
0x187: {  	v59, _, _ =	vpop (xrf2);
	v0 =	vadd.f32 v57, v0  }
0x188: {  	v60 =	vnsel vm13, $0x0, v58;
	v61 =	vbroadcast v59, $0xF  }
0x189: {  	v0 =	vadd.f32 v60, v0  }
0x18a: {  	v62 =	vnsel vm14, $0x0, v61  }
0x18b: {  	v0 =	vadd.f32 v62, v0;
	v63, _, _ =	vpop (xrf2)  }
0x18c: {  	v1 =	vsel vm15, $0x0, v63  }
0x18d: {  	v0 =	vadd.f32 v1, v0  }
0x18e: {  	p0 =	sne.s32 s9, $0x1  }
.Ltmp1:
0x18f: {  	[tilespmem:$0x1300] =	vst v0;
	(pc) =	sbr.rel @p0 .LBB2_2-.Ltmp1, $4  }
0x190: {  	[hbm4b:s8+s5] =	stream.linear.scatter [tilespmem:s17], [sflag:$0x3], $0x10, $0x38;
	[tilespmem:$0x1380] =	vst v63  }
0x191: {  	_ =	swait.ge [sflag:s10], $0x10  }
0x192: {  	[sflag:s10] =	ssyncset.done $0x0  }
0x193: {  	s9 =	sadd.s32 $0xFFFFFFFF, s9;
	[sflag:s10] =	ssyncadd.s32 $0xFFFFFFF0  }
.LBB2_3:
0x194: {  	_ =	sfence.sel $0x180000  }
0x195: {  	[bflag:$0x0] =	sbarrier.arrive $0xFFFF  }
0x196: {  	p0 =	sne.s32 s4, $0x0;
	_ =	strace $0x90000047  }
0x197: {  	s0 =	sadd.s32 @!p0 $0x100000, s0;
	[bflag:$0x2] =	sbarrier.arrive $0xFFFF  }
0x198: {  	[sflag:s0] =	ssyncadd.tile.s32 @!p0 $0x1;
	_ =	shalt  }
.Lfunc_end2:
_tile_overlayer_lowered:
.L_overlay_start_2:
0x199: {  	(tag) =	ssettag $0x2  }
0x19a: {  	s0 =	rddreg [dreg:$0x0];
	s2 =	stileid.u32  }
0x19b: {  	s1 =	rddreg [dreg:$0x1];
	p0 =	sne.s32 s2, $0x0  }
0x19c: {  	s3 =	rddreg [dreg:$0x2];
	[bflag:$0x3] =	sbarrier.arrive $0xFFFF;
	s2 =	simm.s32 @!p0 $0x1C03  }
0x19d: {  	[timem:s3], [sflag:s2] =	dma.local @!p0 [hbm:s0], s1  }
0x19e: {  	s0 =	simm.s32 @!p0 $0x3  }
0x19f: {  	_ =	swait.ge @!p0 [sflag:s0], s1  }
0x1a0: {  	s1 =	ssub.s32 @!p0 $0x0, s1;
	[sflag:s0] =	ssyncset.done @!p0 $0x0  }
0x1a1: {  	[sflag:s0] =	ssyncadd.s32 @!p0 s1  }
0x1a2: {  	[bflag:$0x3] =	sbarrier.arrive $0xFFFF  }
0x1a3: {  	_ =	shalt  }

</sc_bundles>
